<compile_context>
chip_gen: v7x
topology: tpu7x:2x2x1
jax: 0.10.2.dev20260603
libtpu: 0.0.44.dev20260713+nightly
codegen_flags: <defaults>
</compile_context>

<pallas_src>
import functools

import jax
import jax.numpy as jnp
from jax import lax
from jax.experimental import pallas as pl
from jax.experimental.pallas import tpu as pltpu
from jax.experimental.pallas import tpu_sc as plsc

NC = 2
NS = 16
L = 16
C = 256


def _make_sc_segsum(K, rows_per_tile, Dh, with_cnt):
  N_pad = NS * rows_per_tile
  mesh = plsc.VectorSubcoreMesh(core_axis_name="c", subcore_axis_name="s",
                                num_cores=NC)
  out_type = [jax.ShapeDtypeStruct((NC, N_pad, Dh), jnp.float32)]
  if with_cnt:
    out_type.append(jax.ShapeDtypeStruct((1, 1, N_pad), jnp.float32))

  @functools.partial(
      pl.kernel,
      out_type=tuple(out_type),
      mesh=mesh,
      compiler_params=pltpu.CompilerParams(use_tc_tiling_on_sc=False),
      scratch_types=[
          pltpu.VMEM((2, 2, C), jnp.int32),
          pltpu.VMEM((2, C, Dh), jnp.float32),
          pltpu.VMEM((C,), jnp.float32),
          pltpu.VMEM((128, Dh), jnp.float32),
          pltpu.VMEM((rows_per_tile,), jnp.float32),
          pltpu.VMEM_SHARED((N_pad, Dh), jnp.float32),
          pltpu.VMEM_SHARED((N_pad, Dh), jnp.float32),
          pltpu.VMEM_SHARED((N_pad,), jnp.float32),
          pltpu.SemaphoreType.DMA((2,)),
          pltpu.SemaphoreType.DMA((2,)),
      ],
  )
  def sc_segsum(x_hbm, eib_hbm, z2_hbm, z1_hbm,
                s_out, *rest):
    if with_cnt:
      cnt_out, idx_v, rows_v, ones_v, z2_v, z1_v, table, acc, cacc, \
          gsems, isems = rest
    else:
      idx_v, rows_v, ones_v, z2_v, z1_v, table, acc, cacc, \
          gsems, isems = rest
    cid = lax.axis_index("c")
    sid = lax.axis_index("s")
    base = sid * rows_per_tile

    pltpu.sync_copy(z2_hbm, z2_v)
    pltpu.sync_copy(z1_hbm, z1_v)
    for b in range(2):
      pltpu.async_copy(eib_hbm.at[sid, b], idx_v.at[b], isems.at[b])
    pltpu.sync_copy(x_hbm.at[pl.ds(cid * N_pad + base, rows_per_tile)],
                    table.at[pl.ds(base, rows_per_tile)])

    if with_cnt:
      @pl.loop(0, C // L)
      def _(t):
        ones_v[pl.ds(t * L, L)] = jnp.full((L,), 1.0, jnp.float32)

    full, rem = divmod(rows_per_tile, 128)
    for i in range(full):
      pltpu.sync_copy(z2_v, acc.at[pl.ds(base + i * 128, 128)])
    if rem:
      pltpu.sync_copy(z2_v.at[pl.ds(0, rem)],
                      acc.at[pl.ds(base + full * 128, rem)])
    if with_cnt:
      pltpu.sync_copy(z1_v, cacc.at[pl.ds(base, rows_per_tile)])
    plsc.subcore_barrier()

    pltpu.make_async_copy(eib_hbm.at[sid, 0], idx_v.at[0], isems.at[0]).wait()
    pltpu.async_copy(table.at[idx_v.at[0, 0]], rows_v.at[0], gsems.at[0])

    @pl.loop(0, K // 2)
    def _(g):
      for b in range(2):
        j = g * 2 + b
        bn = 1 - b
        pltpu.make_async_copy(table.at[idx_v.at[b, 0]], rows_v.at[b],
                              gsems.at[b]).wait()

        @pl.when(j + 1 < K)
        def _():
          pltpu.make_async_copy(eib_hbm.at[sid, j + 1], idx_v.at[bn],
                                isems.at[bn]).wait()
          pltpu.async_copy(table.at[idx_v.at[bn, 0]], rows_v.at[bn],
                           gsems.at[bn])

        pltpu.sync_copy(rows_v.at[b], acc.at[idx_v.at[b, 1]], add=True)

        if with_cnt:
          @pl.when(cid == 0)
          def _():
            pltpu.sync_copy(ones_v, cacc.at[idx_v.at[b, 1]], add=True)

        @pl.when(j + 2 < K)
        def _():
          pltpu.async_copy(eib_hbm.at[sid, j + 2], idx_v.at[b], isems.at[b])

    plsc.subcore_barrier()
    pltpu.sync_copy(acc.at[pl.ds(base, rows_per_tile)],
                    s_out.at[cid, pl.ds(base, rows_per_tile)])

    if with_cnt:
      @pl.when(cid == 0)
      def _():
        pltpu.sync_copy(cacc.at[pl.ds(base, rows_per_tile)],
                        cnt_out.at[0, 0, pl.ds(base, rows_per_tile)])

  return sc_segsum


def _make_tc_combine(N, N_pad, D, H, relu, split_in, split_out):
  Hh = H // NC

  def body(s_ref, c_ref, x_ref, wl_ref, bl_ref, wr_ref, o_ref):
    s = jnp.concatenate([s_ref[0], s_ref[1]], axis=-1)
    c = c_ref[0]
    mean = s * (1.0 / jnp.maximum(c, 1.0))
    if split_in:
      xx = jnp.concatenate([x_ref[pl.ds(0, N)], x_ref[pl.ds(N_pad, N)]],
                           axis=-1)
    else:
      xx = x_ref[...]
    out = (
        lax.dot_general(mean[:N], wl_ref[...],
                        (((1,), (1,)), ((), ())),
                        preferred_element_type=jnp.float32)
        + bl_ref[...][None, :]
        + lax.dot_general(xx, wr_ref[...],
                          (((1,), (1,)), ((), ())),
                          preferred_element_type=jnp.float32)
    )
    out = jnp.maximum(out, 0.0) if relu else out
    if split_out:
      o_ref[pl.ds(0, N), :] = out[:, :Hh]
      o_ref[pl.ds(N_pad, N), :] = out[:, Hh:]
    else:
      o_ref[...] = out

  out_shape = ((NC * N_pad, Hh) if split_out else (N, H))
  return pl.pallas_call(
      body,
      out_shape=jax.ShapeDtypeStruct(out_shape, jnp.float32),
  )


def _prep_edges(edge_index, N, K):
  E = edge_index.shape[1]
  E_pad = NS * K * C
  src = jnp.concatenate(
      [edge_index[0], jnp.zeros((E_pad - E,), jnp.int32)]).reshape(NS, K, C)
  dst = jnp.concatenate(
      [edge_index[1],
       jnp.full((E_pad - E,), N, jnp.int32)]).reshape(NS, K, C)
  return lax.optimization_barrier(jnp.stack([src, dst], axis=2))


def kernel(x, edge_index, W1l, b1l, W1r, W2l, b2l, W2r):
  N, D = x.shape
  H = W1l.shape[0]
  O = W2l.shape[0]
  E = edge_index.shape[1]
  Dh = D // NC

  K = -(-E // (NS * C * 2)) * 2
  rows_per_tile = -(-(N + 1) // (NS * 128)) * 128
  N_pad = NS * rows_per_tile

  eib = _prep_edges(edge_index, N, K)
  z2 = jnp.zeros((128, Dh), jnp.float32)
  z1 = jnp.zeros((rows_per_tile,), jnp.float32)

  sc_segsum = _make_sc_segsum(K, rows_per_tile, Dh, with_cnt=True)
  sc_segsum2 = _make_sc_segsum(K, rows_per_tile, Dh, with_cnt=False)
  tc1 = _make_tc_combine(N, N_pad, D, H, relu=True,
                         split_in=False, split_out=True)
  tc2 = _make_tc_combine(N, N_pad, H, O, relu=False,
                         split_in=True, split_out=False)

  def split(v):
    vp = jnp.pad(v, ((0, N_pad - N), (0, 0)))
    return lax.optimization_barrier(
        jnp.concatenate([vp[:, :Dh], vp[:, Dh:]], axis=0))

  s1, cnt = sc_segsum(split(x), eib, z2, z1)
  cnt = cnt.reshape(1, N_pad, 1)
  hs = tc1(s1, cnt, x, W1l, b1l, W1r)
  (s2,) = sc_segsum2(hs, eib, z2, z1)
  out = tc2(s2, cnt, hs, W2l, b2l, W2r)
  return out

# --- scband reference (transcript-rebuilt; emitter-appended) ---
"""Pipeline reference for scband-gnnencoder-1752346656862 (READ-ONLY COPY).

The authoritative reference and input builder live on the scoring server;
editing this copy changes nothing except your own understanding.
"""

import jax, jax.numpy as jnp
import numpy as np

N = 10000
E = 320000
D = 128
H = 128
O = 128


def setup_inputs(seed: int = 0) -> dict:
    key = jax.random.key(seed)
    ks = jax.random.split(key, 9)
    x = jax.random.normal(ks[0], (N, D), dtype=jnp.float32)
    edge_index = jax.random.randint(ks[1], (2, E), 0, N, dtype=jnp.int32)
    # SAGEConv layer 1 params: lin_l (with bias) applied to aggregated neighbors, lin_r (no bias) applied to root
    W1l = jax.random.normal(ks[2], (H, D), dtype=jnp.float32) * (1.0 / np.sqrt(D))
    b1l = jnp.zeros((H,), dtype=jnp.float32)
    W1r = jax.random.normal(ks[3], (H, D), dtype=jnp.float32) * (1.0 / np.sqrt(D))
    # SAGEConv layer 2 params
    W2l = jax.random.normal(ks[4], (O, H), dtype=jnp.float32) * (1.0 / np.sqrt(H))
    b2l = jnp.zeros((O,), dtype=jnp.float32)
    W2r = jax.random.normal(ks[5], (O, H), dtype=jnp.float32) * (1.0 / np.sqrt(H))
    return {"x": x, "edge_index": edge_index, "W1l": W1l, "b1l": b1l, "W1r": W1r,
            "W2l": W2l, "b2l": b2l, "W2r": W2r}


def _sage_conv(x, edge_index, Wl, bl, Wr):
    # PyG SAGEConv with aggr='mean', root_weight=True:
    # out = lin_l(mean_{j in N(i)} x_j) + lin_r(x_i)
    src = edge_index[0]
    dst = edge_index[1]
    msg = jnp.take(x, src, axis=0)                      # gather source features [E, d]
    summed = jax.ops.segment_sum(msg, dst, num_segments=N)
    cnt = jax.ops.segment_sum(jnp.ones((msg.shape[0], 1), dtype=x.dtype), dst, num_segments=N)
    mean = summed / jnp.clip(cnt, 1.0)
    return mean @ Wl.T + bl + x @ Wr.T


def reference(x, edge_index, W1l, b1l, W1r, W2l, b2l, W2r):
    h = _sage_conv(x, edge_index, W1l, b1l, W1r)
    h = jax.nn.relu(h)
    out = _sage_conv(h, edge_index, W2l, b2l, W2r)
    return out

if __name__ == "__main__":
    import jax
    _d = setup_inputs()
    print(jax.jit(kernel)(*tuple(_d.values())))

</pallas_src>

<mosaic_0001>
#map = affine_map<(d0, d1) -> (0, 0)>
#map1 = affine_map<(d0, d1) -> (0, 0, 0, 0)>
#map2 = affine_map<(d0, d1) -> (0)>
#map3 = affine_map<(d0, d1) -> (0, 0, 0)>
module attributes {stable_mosaic.version = 14 : i64} {
  func.func @sc_segsum(%arg0: i32, %arg1: i32, %arg2: memref<20480x64xf32, #tpu.memory_space<hbm>>, %arg3: memref<16x80x2x256xi32, #tpu.memory_space<hbm>>, %arg4: memref<128x64xf32, #tpu.memory_space<hbm>>, %arg5: memref<640xf32, #tpu.memory_space<hbm>>, %arg6: memref<2x10240x64xf32, #tpu.memory_space<hbm>>, %arg7: memref<2x2x256xi32, #tpu.memory_space<vmem>>, %arg8: memref<2x256x64xf32, #tpu.memory_space<vmem>>, %arg9: memref<256xf32, #tpu.memory_space<vmem>>, %arg10: memref<128x64xf32, #tpu.memory_space<vmem>>, %arg11: memref<640xf32, #tpu.memory_space<vmem>>, %arg12: memref<10240x64xf32, #tpu.memory_space<vmem_shared>>, %arg13: memref<10240x64xf32, #tpu.memory_space<vmem_shared>>, %arg14: memref<10240xf32, #tpu.memory_space<vmem_shared>>, %arg15: memref<2x!tpu.dma_semaphore, #tpu.memory_space<semaphore_mem>>, %arg16: memref<2x!tpu.dma_semaphore, #tpu.memory_space<semaphore_mem>>) attributes {dimension_semantics = [#tpu.dimension_semantics<core_parallel>, #tpu.dimension_semantics<subcore_parallel>], iteration_bounds = array<i64: 2, 16>, scalar_prefetch = 0 : i64, scratch_operands = 10 : i64, tpu.core_type = #tpu.core_type<sc_vector_subcore>, window_params = [{transform_indices = #map}, {transform_indices = #map1}, {transform_indices = #map}, {transform_indices = #map2}, {transform_indices = #map3}]} {
    %mul3A = arith.constant 640 : i32
    %mul3A_0 = arith.muli %arg1, %mul3A : i32
    "tpu.region"() ({
      %run_scoped3A = tpu.sem_alloc : memref<!tpu.dma_semaphore, #tpu.memory_space<semaphore_mem>>
      tpu.enqueue_dma source(%arg4 : memref<128x64xf32, #tpu.memory_space<hbm>>) target(%arg10 : memref<128x64xf32, #tpu.memory_space<vmem>>) target_semaphore(%run_scoped3A : memref<!tpu.dma_semaphore, #tpu.memory_space<semaphore_mem>>)
      tpu.wait_dma2 semaphore(%run_scoped3A : memref<!tpu.dma_semaphore, #tpu.memory_space<semaphore_mem>>) src(%arg4 : memref<128x64xf32, #tpu.memory_space<hbm>>) dst(%arg10 : memref<128x64xf32, #tpu.memory_space<vmem>>)
      tpu.yield
    }) : () -> ()
    "tpu.region"() ({
      %run_scoped3A = tpu.sem_alloc : memref<!tpu.dma_semaphore, #tpu.memory_space<semaphore_mem>>
      tpu.enqueue_dma source(%arg5 : memref<640xf32, #tpu.memory_space<hbm>>) target(%arg11 : memref<640xf32, #tpu.memory_space<vmem>>) target_semaphore(%run_scoped3A : memref<!tpu.dma_semaphore, #tpu.memory_space<semaphore_mem>>)
      tpu.wait_dma2 semaphore(%run_scoped3A : memref<!tpu.dma_semaphore, #tpu.memory_space<semaphore_mem>>) src(%arg5 : memref<640xf32, #tpu.memory_space<hbm>>) dst(%arg11 : memref<640xf32, #tpu.memory_space<vmem>>)
      tpu.yield
    }) : () -> ()
    %dma_start3A = arith.constant 0 : i32
    %dma_start3A_1 = arith.constant 0 : i32
    %dma_start3A_2 = arith.constant 0 : i32
    %dma_start3A_3 = arith.constant 0 : i32
    %dma_start3A_4 = arith.constant 0 : i32
    %dma_start3A_5 = tpu.memref_slice %arg7[%dma_start3A_1, %dma_start3A_3, %dma_start3A_4] : memref<2x2x256xi32, #tpu.memory_space<vmem>> -> memref<1x2x256xi32, #tpu.memory_space<vmem>>
    %dma_start3A_6 = tpu.memref_squeeze %dma_start3A_5 : memref<1x2x256xi32, #tpu.memory_space<vmem>> -> memref<2x256xi32, #tpu.memory_space<vmem>>
    %dma_start3A_7 = arith.constant 0 : i32
    %dma_start3A_8 = arith.constant 0 : i32
    %dma_start3A_9 = tpu.memref_slice %arg3[%arg1, %dma_start3A, %dma_start3A_7, %dma_start3A_8] : memref<16x80x2x256xi32, #tpu.memory_space<hbm>> -> memref<1x1x2x256xi32, #tpu.memory_space<hbm>>
    %dma_start3A_10 = tpu.memref_squeeze %dma_start3A_9 : memref<1x1x2x256xi32, #tpu.memory_space<hbm>> -> memref<2x256xi32, #tpu.memory_space<hbm>>
    %dma_start3A_11 = tpu.memref_slice %arg16[%dma_start3A_2] : memref<2x!tpu.dma_semaphore, #tpu.memory_space<semaphore_mem>> -> memref<1x!tpu.dma_semaphore, #tpu.memory_space<semaphore_mem>>
    %dma_start3A_12 = tpu.memref_squeeze %dma_start3A_11 : memref<1x!tpu.dma_semaphore, #tpu.memory_space<semaphore_mem>> -> memref<!tpu.dma_semaphore, #tpu.memory_space<semaphore_mem>>
    %dma_start3A_13 = arith.constant 0 : i32
    %dma_start3A_14 = arith.constant 0 : i32
    %dma_start3A_15 = tpu.memref_slice %arg7[%dma_start3A_1, %dma_start3A_13, %dma_start3A_14] : memref<2x2x256xi32, #tpu.memory_space<vmem>> -> memref<1x2x256xi32, #tpu.memory_space<vmem>>
    %dma_start3A_16 = tpu.memref_squeeze %dma_start3A_15 : memref<1x2x256xi32, #tpu.memory_space<vmem>> -> memref<2x256xi32, #tpu.memory_space<vmem>>
    %dma_start3A_17 = arith.constant 0 : i32
    %dma_start3A_18 = arith.constant 0 : i32
    %dma_start3A_19 = tpu.memref_slice %arg3[%arg1, %dma_start3A, %dma_start3A_17, %dma_start3A_18] : memref<16x80x2x256xi32, #tpu.memory_space<hbm>> -> memref<1x1x2x256xi32, #tpu.memory_space<hbm>>
    %dma_start3A_20 = tpu.memref_squeeze %dma_start3A_19 : memref<1x1x2x256xi32, #tpu.memory_space<hbm>> -> memref<2x256xi32, #tpu.memory_space<hbm>>
    tpu.enqueue_dma source(%dma_start3A_20 : memref<2x256xi32, #tpu.memory_space<hbm>>) target(%dma_start3A_16 : memref<2x256xi32, #tpu.memory_space<vmem>>) target_semaphore(%dma_start3A_12 : memref<!tpu.dma_semaphore, #tpu.memory_space<semaphore_mem>>)
    %dma_start3A_21 = arith.constant 1 : i32
    %dma_start3A_22 = arith.constant 1 : i32
    %dma_start3A_23 = arith.constant 1 : i32
    %dma_start3A_24 = arith.constant 0 : i32
    %dma_start3A_25 = arith.constant 0 : i32
    %dma_start3A_26 = tpu.memref_slice %arg7[%dma_start3A_22, %dma_start3A_24, %dma_start3A_25] : memref<2x2x256xi32, #tpu.memory_space<vmem>> -> memref<1x2x256xi32, #tpu.memory_space<vmem>>
    %dma_start3A_27 = tpu.memref_squeeze %dma_start3A_26 : memref<1x2x256xi32, #tpu.memory_space<vmem>> -> memref<2x256xi32, #tpu.memory_space<vmem>>
    %dma_start3A_28 = arith.constant 0 : i32
    %dma_start3A_29 = arith.constant 0 : i32
    %dma_start3A_30 = tpu.memref_slice %arg3[%arg1, %dma_start3A_21, %dma_start3A_28, %dma_start3A_29] : memref<16x80x2x256xi32, #tpu.memory_space<hbm>> -> memref<1x1x2x256xi32, #tpu.memory_space<hbm>>
    %dma_start3A_31 = tpu.memref_squeeze %dma_start3A_30 : memref<1x1x2x256xi32, #tpu.memory_space<hbm>> -> memref<2x256xi32, #tpu.memory_space<hbm>>
    %dma_start3A_32 = tpu.memref_slice %arg16[%dma_start3A_23] : memref<2x!tpu.dma_semaphore, #tpu.memory_space<semaphore_mem>> -> memref<1x!tpu.dma_semaphore, #tpu.memory_space<semaphore_mem>>
    %dma_start3A_33 = tpu.memref_squeeze %dma_start3A_32 : memref<1x!tpu.dma_semaphore, #tpu.memory_space<semaphore_mem>> -> memref<!tpu.dma_semaphore, #tpu.memory_space<semaphore_mem>>
    %dma_start3A_34 = arith.constant 0 : i32
    %dma_start3A_35 = arith.constant 0 : i32
    %dma_start3A_36 = tpu.memref_slice %arg7[%dma_start3A_22, %dma_start3A_34, %dma_start3A_35] : memref<2x2x256xi32, #tpu.memory_space<vmem>> -> memref<1x2x256xi32, #tpu.memory_space<vmem>>
    %dma_start3A_37 = tpu.memref_squeeze %dma_start3A_36 : memref<1x2x256xi32, #tpu.memory_space<vmem>> -> memref<2x256xi32, #tpu.memory_space<vmem>>
    %dma_start3A_38 = arith.constant 0 : i32
    %dma_start3A_39 = arith.constant 0 : i32
    %dma_start3A_40 = tpu.memref_slice %arg3[%arg1, %dma_start3A_21, %dma_start3A_38, %dma_start3A_39] : memref<16x80x2x256xi32, #tpu.memory_space<hbm>> -> memref<1x1x2x256xi32, #tpu.memory_space<hbm>>
    %dma_start3A_41 = tpu.memref_squeeze %dma_start3A_40 : memref<1x1x2x256xi32, #tpu.memory_space<hbm>> -> memref<2x256xi32, #tpu.memory_space<hbm>>
    tpu.enqueue_dma source(%dma_start3A_41 : memref<2x256xi32, #tpu.memory_space<hbm>>) target(%dma_start3A_37 : memref<2x256xi32, #tpu.memory_space<vmem>>) target_semaphore(%dma_start3A_33 : memref<!tpu.dma_semaphore, #tpu.memory_space<semaphore_mem>>)
    %mul3A_42 = arith.constant 10240 : i32
    %mul3A_43 = arith.muli %arg0, %mul3A_42 : i32
    %add3A = arith.addi %mul3A_43, %mul3A_0 : i32
    "tpu.region"() ({
      %run_scoped3A = tpu.sem_alloc : memref<!tpu.dma_semaphore, #tpu.memory_space<semaphore_mem>>
      %dma_start3A_95 = arith.constant 0 : i32
      %dma_start3A_96 = tpu.memref_slice %arg12[%mul3A_0, %dma_start3A_95] : memref<10240x64xf32, #tpu.memory_space<vmem_shared>> -> memref<640x64xf32, #tpu.memory_space<vmem_shared>>
      %dma_start3A_97 = arith.constant 0 : i32
      %dma_start3A_98 = tpu.memref_slice %arg2[%add3A, %dma_start3A_97] : memref<20480x64xf32, #tpu.memory_space<hbm>> -> memref<640x64xf32, #tpu.memory_space<hbm>>
      tpu.enqueue_dma source(%dma_start3A_98 : memref<640x64xf32, #tpu.memory_space<hbm>>) target(%dma_start3A_96 : memref<640x64xf32, #tpu.memory_space<vmem_shared>>) target_semaphore(%run_scoped3A : memref<!tpu.dma_semaphore, #tpu.memory_space<semaphore_mem>>)
      %dma_wait3A_99 = arith.constant 0 : i32
      %dma_wait3A_100 = tpu.memref_slice %arg12[%mul3A_0, %dma_wait3A_99] : memref<10240x64xf32, #tpu.memory_space<vmem_shared>> -> memref<640x64xf32, #tpu.memory_space<vmem_shared>>
      %dma_wait3A_101 = arith.constant 0 : i32
      %dma_wait3A_102 = tpu.memref_slice %arg2[%add3A, %dma_wait3A_101] : memref<20480x64xf32, #tpu.memory_space<hbm>> -> memref<640x64xf32, #tpu.memory_space<hbm>>
      tpu.wait_dma2 semaphore(%run_scoped3A : memref<!tpu.dma_semaphore, #tpu.memory_space<semaphore_mem>>) src(%dma_wait3A_102 : memref<640x64xf32, #tpu.memory_space<hbm>>) dst(%dma_wait3A_100 : memref<640x64xf32, #tpu.memory_space<vmem_shared>>)
      tpu.yield
    }) : () -> ()
    %add3A_44 = arith.constant 0 : i32
    %add3A_45 = arith.addi %mul3A_0, %add3A_44 : i32
    "tpu.region"() ({
      %run_scoped3A = tpu.sem_alloc : memref<!tpu.dma_semaphore, #tpu.memory_space<semaphore_mem>>
      %dma_start3A_95 = arith.constant 0 : i32
      %dma_start3A_96 = tpu.memref_slice %arg13[%add3A_45, %dma_start3A_95] : memref<10240x64xf32, #tpu.memory_space<vmem_shared>> -> memref<128x64xf32, #tpu.memory_space<vmem_shared>>
      %dma_start3A_97 = arith.constant 0 : i32
      %dma_start3A_98 = tpu.memref_slice %arg13[%add3A_45, %dma_start3A_97] : memref<10240x64xf32, #tpu.memory_space<vmem_shared>> -> memref<128x64xf32, #tpu.memory_space<vmem_shared>>
      tpu.enqueue_dma source(%arg10 : memref<128x64xf32, #tpu.memory_space<vmem>>) target(%dma_start3A_98 : memref<128x64xf32, #tpu.memory_space<vmem_shared>>) target_semaphore(%run_scoped3A : memref<!tpu.dma_semaphore, #tpu.memory_space<semaphore_mem>>)
      %dma_wait3A_99 = arith.constant 0 : i32
      %dma_wait3A_100 = tpu.memref_slice %arg13[%add3A_45, %dma_wait3A_99] : memref<10240x64xf32, #tpu.memory_space<vmem_shared>> -> memref<128x64xf32, #tpu.memory_space<vmem_shared>>
      %dma_wait3A_101 = arith.constant 0 : i32
      %dma_wait3A_102 = tpu.memref_slice %arg13[%add3A_45, %dma_wait3A_101] : memref<10240x64xf32, #tpu.memory_space<vmem_shared>> -> memref<128x64xf32, #tpu.memory_space<vmem_shared>>
      tpu.wait_dma2 semaphore(%run_scoped3A : memref<!tpu.dma_semaphore, #tpu.memory_space<semaphore_mem>>) src(%arg10 : memref<128x64xf32, #tpu.memory_space<vmem>>) dst(%dma_wait3A_102 : memref<128x64xf32, #tpu.memory_space<vmem_shared>>)
      tpu.yield
    }) : () -> ()
    %add3A_46 = arith.constant 128 : i32
    %add3A_47 = arith.addi %mul3A_0, %add3A_46 : i32
    "tpu.region"() ({
      %run_scoped3A = tpu.sem_alloc : memref<!tpu.dma_semaphore, #tpu.memory_space<semaphore_mem>>
      %dma_start3A_95 = arith.constant 0 : i32
      %dma_start3A_96 = tpu.memref_slice %arg13[%add3A_47, %dma_start3A_95] : memref<10240x64xf32, #tpu.memory_space<vmem_shared>> -> memref<128x64xf32, #tpu.memory_space<vmem_shared>>
      %dma_start3A_97 = arith.constant 0 : i32
      %dma_start3A_98 = tpu.memref_slice %arg13[%add3A_47, %dma_start3A_97] : memref<10240x64xf32, #tpu.memory_space<vmem_shared>> -> memref<128x64xf32, #tpu.memory_space<vmem_shared>>
      tpu.enqueue_dma source(%arg10 : memref<128x64xf32, #tpu.memory_space<vmem>>) target(%dma_start3A_98 : memref<128x64xf32, #tpu.memory_space<vmem_shared>>) target_semaphore(%run_scoped3A : memref<!tpu.dma_semaphore, #tpu.memory_space<semaphore_mem>>)
      %dma_wait3A_99 = arith.constant 0 : i32
      %dma_wait3A_100 = tpu.memref_slice %arg13[%add3A_47, %dma_wait3A_99] : memref<10240x64xf32, #tpu.memory_space<vmem_shared>> -> memref<128x64xf32, #tpu.memory_space<vmem_shared>>
      %dma_wait3A_101 = arith.constant 0 : i32
      %dma_wait3A_102 = tpu.memref_slice %arg13[%add3A_47, %dma_wait3A_101] : memref<10240x64xf32, #tpu.memory_space<vmem_shared>> -> memref<128x64xf32, #tpu.memory_space<vmem_shared>>
      tpu.wait_dma2 semaphore(%run_scoped3A : memref<!tpu.dma_semaphore, #tpu.memory_space<semaphore_mem>>) src(%arg10 : memref<128x64xf32, #tpu.memory_space<vmem>>) dst(%dma_wait3A_102 : memref<128x64xf32, #tpu.memory_space<vmem_shared>>)
      tpu.yield
    }) : () -> ()
    %add3A_48 = arith.constant 256 : i32
    %add3A_49 = arith.addi %mul3A_0, %add3A_48 : i32
    "tpu.region"() ({
      %run_scoped3A = tpu.sem_alloc : memref<!tpu.dma_semaphore, #tpu.memory_space<semaphore_mem>>
      %dma_start3A_95 = arith.constant 0 : i32
      %dma_start3A_96 = tpu.memref_slice %arg13[%add3A_49, %dma_start3A_95] : memref<10240x64xf32, #tpu.memory_space<vmem_shared>> -> memref<128x64xf32, #tpu.memory_space<vmem_shared>>
      %dma_start3A_97 = arith.constant 0 : i32
      %dma_start3A_98 = tpu.memref_slice %arg13[%add3A_49, %dma_start3A_97] : memref<10240x64xf32, #tpu.memory_space<vmem_shared>> -> memref<128x64xf32, #tpu.memory_space<vmem_shared>>
      tpu.enqueue_dma source(%arg10 : memref<128x64xf32, #tpu.memory_space<vmem>>) target(%dma_start3A_98 : memref<128x64xf32, #tpu.memory_space<vmem_shared>>) target_semaphore(%run_scoped3A : memref<!tpu.dma_semaphore, #tpu.memory_space<semaphore_mem>>)
      %dma_wait3A_99 = arith.constant 0 : i32
      %dma_wait3A_100 = tpu.memref_slice %arg13[%add3A_49, %dma_wait3A_99] : memref<10240x64xf32, #tpu.memory_space<vmem_shared>> -> memref<128x64xf32, #tpu.memory_space<vmem_shared>>
      %dma_wait3A_101 = arith.constant 0 : i32
      %dma_wait3A_102 = tpu.memref_slice %arg13[%add3A_49, %dma_wait3A_101] : memref<10240x64xf32, #tpu.memory_space<vmem_shared>> -> memref<128x64xf32, #tpu.memory_space<vmem_shared>>
      tpu.wait_dma2 semaphore(%run_scoped3A : memref<!tpu.dma_semaphore, #tpu.memory_space<semaphore_mem>>) src(%arg10 : memref<128x64xf32, #tpu.memory_space<vmem>>) dst(%dma_wait3A_102 : memref<128x64xf32, #tpu.memory_space<vmem_shared>>)
      tpu.yield
    }) : () -> ()
    %add3A_50 = arith.constant 384 : i32
    %add3A_51 = arith.addi %mul3A_0, %add3A_50 : i32
    "tpu.region"() ({
      %run_scoped3A = tpu.sem_alloc : memref<!tpu.dma_semaphore, #tpu.memory_space<semaphore_mem>>
      %dma_start3A_95 = arith.constant 0 : i32
      %dma_start3A_96 = tpu.memref_slice %arg13[%add3A_51, %dma_start3A_95] : memref<10240x64xf32, #tpu.memory_space<vmem_shared>> -> memref<128x64xf32, #tpu.memory_space<vmem_shared>>
      %dma_start3A_97 = arith.constant 0 : i32
      %dma_start3A_98 = tpu.memref_slice %arg13[%add3A_51, %dma_start3A_97] : memref<10240x64xf32, #tpu.memory_space<vmem_shared>> -> memref<128x64xf32, #tpu.memory_space<vmem_shared>>
      tpu.enqueue_dma source(%arg10 : memref<128x64xf32, #tpu.memory_space<vmem>>) target(%dma_start3A_98 : memref<128x64xf32, #tpu.memory_space<vmem_shared>>) target_semaphore(%run_scoped3A : memref<!tpu.dma_semaphore, #tpu.memory_space<semaphore_mem>>)
      %dma_wait3A_99 = arith.constant 0 : i32
      %dma_wait3A_100 = tpu.memref_slice %arg13[%add3A_51, %dma_wait3A_99] : memref<10240x64xf32, #tpu.memory_space<vmem_shared>> -> memref<128x64xf32, #tpu.memory_space<vmem_shared>>
      %dma_wait3A_101 = arith.constant 0 : i32
      %dma_wait3A_102 = tpu.memref_slice %arg13[%add3A_51, %dma_wait3A_101] : memref<10240x64xf32, #tpu.memory_space<vmem_shared>> -> memref<128x64xf32, #tpu.memory_space<vmem_shared>>
      tpu.wait_dma2 semaphore(%run_scoped3A : memref<!tpu.dma_semaphore, #tpu.memory_space<semaphore_mem>>) src(%arg10 : memref<128x64xf32, #tpu.memory_space<vmem>>) dst(%dma_wait3A_102 : memref<128x64xf32, #tpu.memory_space<vmem_shared>>)
      tpu.yield
    }) : () -> ()
    %add3A_52 = arith.constant 512 : i32
    %add3A_53 = arith.addi %mul3A_0, %add3A_52 : i32
    "tpu.region"() ({
      %run_scoped3A = tpu.sem_alloc : memref<!tpu.dma_semaphore, #tpu.memory_space<semaphore_mem>>
      %dma_start3A_95 = arith.constant 0 : i32
      %dma_start3A_96 = tpu.memref_slice %arg13[%add3A_53, %dma_start3A_95] : memref<10240x64xf32, #tpu.memory_space<vmem_shared>> -> memref<128x64xf32, #tpu.memory_space<vmem_shared>>
      %dma_start3A_97 = arith.constant 0 : i32
      %dma_start3A_98 = tpu.memref_slice %arg13[%add3A_53, %dma_start3A_97] : memref<10240x64xf32, #tpu.memory_space<vmem_shared>> -> memref<128x64xf32, #tpu.memory_space<vmem_shared>>
      tpu.enqueue_dma source(%arg10 : memref<128x64xf32, #tpu.memory_space<vmem>>) target(%dma_start3A_98 : memref<128x64xf32, #tpu.memory_space<vmem_shared>>) target_semaphore(%run_scoped3A : memref<!tpu.dma_semaphore, #tpu.memory_space<semaphore_mem>>)
      %dma_wait3A_99 = arith.constant 0 : i32
      %dma_wait3A_100 = tpu.memref_slice %arg13[%add3A_53, %dma_wait3A_99] : memref<10240x64xf32, #tpu.memory_space<vmem_shared>> -> memref<128x64xf32, #tpu.memory_space<vmem_shared>>
      %dma_wait3A_101 = arith.constant 0 : i32
      %dma_wait3A_102 = tpu.memref_slice %arg13[%add3A_53, %dma_wait3A_101] : memref<10240x64xf32, #tpu.memory_space<vmem_shared>> -> memref<128x64xf32, #tpu.memory_space<vmem_shared>>
      tpu.wait_dma2 semaphore(%run_scoped3A : memref<!tpu.dma_semaphore, #tpu.memory_space<semaphore_mem>>) src(%arg10 : memref<128x64xf32, #tpu.memory_space<vmem>>) dst(%dma_wait3A_102 : memref<128x64xf32, #tpu.memory_space<vmem_shared>>)
      tpu.yield
    }) : () -> ()
    %barrier3A = arith.constant 0 : index
    tpu.barrier barrier_id(%barrier3A)
    %dma_wait3A = arith.constant 0 : i32
    %dma_wait3A_54 = arith.constant 0 : i32
    %dma_wait3A_55 = arith.constant 0 : i32
    %dma_wait3A_56 = arith.constant 0 : i32
    %dma_wait3A_57 = arith.constant 0 : i32
    %dma_wait3A_58 = tpu.memref_slice %arg7[%dma_wait3A_54, %dma_wait3A_56, %dma_wait3A_57] : memref<2x2x256xi32, #tpu.memory_space<vmem>> -> memref<1x2x256xi32, #tpu.memory_space<vmem>>
    %dma_wait3A_59 = tpu.memref_squeeze %dma_wait3A_58 : memref<1x2x256xi32, #tpu.memory_space<vmem>> -> memref<2x256xi32, #tpu.memory_space<vmem>>
    %dma_wait3A_60 = arith.constant 0 : i32
    %dma_wait3A_61 = arith.constant 0 : i32
    %dma_wait3A_62 = tpu.memref_slice %arg3[%arg1, %dma_wait3A, %dma_wait3A_60, %dma_wait3A_61] : memref<16x80x2x256xi32, #tpu.memory_space<hbm>> -> memref<1x1x2x256xi32, #tpu.memory_space<hbm>>
    %dma_wait3A_63 = tpu.memref_squeeze %dma_wait3A_62 : memref<1x1x2x256xi32, #tpu.memory_space<hbm>> -> memref<2x256xi32, #tpu.memory_space<hbm>>
    %dma_wait3A_64 = tpu.memref_slice %arg16[%dma_wait3A_55] : memref<2x!tpu.dma_semaphore, #tpu.memory_space<semaphore_mem>> -> memref<1x!tpu.dma_semaphore, #tpu.memory_space<semaphore_mem>>
    %dma_wait3A_65 = tpu.memref_squeeze %dma_wait3A_64 : memref<1x!tpu.dma_semaphore, #tpu.memory_space<semaphore_mem>> -> memref<!tpu.dma_semaphore, #tpu.memory_space<semaphore_mem>>
    %dma_wait3A_66 = arith.constant 0 : i32
    %dma_wait3A_67 = arith.constant 0 : i32
    %dma_wait3A_68 = tpu.memref_slice %arg7[%dma_wait3A_54, %dma_wait3A_66, %dma_wait3A_67] : memref<2x2x256xi32, #tpu.memory_space<vmem>> -> memref<1x2x256xi32, #tpu.memory_space<vmem>>
    %dma_wait3A_69 = tpu.memref_squeeze %dma_wait3A_68 : memref<1x2x256xi32, #tpu.memory_space<vmem>> -> memref<2x256xi32, #tpu.memory_space<vmem>>
    %dma_wait3A_70 = arith.constant 0 : i32
    %dma_wait3A_71 = arith.constant 0 : i32
    %dma_wait3A_72 = tpu.memref_slice %arg3[%arg1, %dma_wait3A, %dma_wait3A_70, %dma_wait3A_71] : memref<16x80x2x256xi32, #tpu.memory_space<hbm>> -> memref<1x1x2x256xi32, #tpu.memory_space<hbm>>
    %dma_wait3A_73 = tpu.memref_squeeze %dma_wait3A_72 : memref<1x1x2x256xi32, #tpu.memory_space<hbm>> -> memref<2x256xi32, #tpu.memory_space<hbm>>
    tpu.wait_dma2 semaphore(%dma_wait3A_65 : memref<!tpu.dma_semaphore, #tpu.memory_space<semaphore_mem>>) src(%dma_wait3A_73 : memref<2x256xi32, #tpu.memory_space<hbm>>) dst(%dma_wait3A_69 : memref<2x256xi32, #tpu.memory_space<vmem>>)
    %dma_start3A_74 = arith.constant 0 : i32
    %dma_start3A_75 = arith.constant 0 : i32
    %dma_start3A_76 = arith.constant 0 : i32
    %dma_start3A_77 = arith.constant 0 : i32
    %dma_start3A_78 = arith.constant 0 : i32
    %dma_start3A_79 = arith.constant 0 : i32
    %dma_start3A_80 = tpu.memref_slice %arg8[%dma_start3A_76, %dma_start3A_78, %dma_start3A_79] : memref<2x256x64xf32, #tpu.memory_space<vmem>> -> memref<1x256x64xf32, #tpu.memory_space<vmem>>
    %dma_start3A_81 = tpu.memref_squeeze %dma_start3A_80 : memref<1x256x64xf32, #tpu.memory_space<vmem>> -> memref<256x64xf32, #tpu.memory_space<vmem>>
    %dma_start3A_82 = arith.constant 0 : i32
    %dma_start3A_83 = tpu.memref_slice %arg7[%dma_start3A_74, %dma_start3A_75, %dma_start3A_82] : memref<2x2x256xi32, #tpu.memory_space<vmem>> -> memref<1x1x256xi32, #tpu.memory_space<vmem>>
    %dma_start3A_84 = tpu.memref_squeeze %dma_start3A_83 : memref<1x1x256xi32, #tpu.memory_space<vmem>> -> memref<256xi32, #tpu.memory_space<vmem>>
    %dma_start3A_85 = arith.constant 0 : i32
    %dma_start3A_86 = arith.constant 0 : i32
    %dma_start3A_87 = tpu.memref_slice %arg12[%dma_start3A_85, %dma_start3A_86] : memref<10240x64xf32, #tpu.memory_space<vmem_shared>> -> memref<10240x64xf32, #tpu.memory_space<vmem_shared>>
    %dma_start3A_88 = tpu.memref_slice %arg15[%dma_start3A_77] : memref<2x!tpu.dma_semaphore, #tpu.memory_space<semaphore_mem>> -> memref<1x!tpu.dma_semaphore, #tpu.memory_space<semaphore_mem>>
    %dma_start3A_89 = tpu.memref_squeeze %dma_start3A_88 : memref<1x!tpu.dma_semaphore, #tpu.memory_space<semaphore_mem>> -> memref<!tpu.dma_semaphore, #tpu.memory_space<semaphore_mem>>
    tpu.enqueue_indirect_dma source(%dma_start3A_87 : memref<10240x64xf32, #tpu.memory_space<vmem_shared>>) target(%dma_start3A_81 : memref<256x64xf32, #tpu.memory_space<vmem>>) offsets(%dma_start3A_84 : memref<256xi32, #tpu.memory_space<vmem>>) semaphore(%dma_start3A_89 : memref<!tpu.dma_semaphore, #tpu.memory_space<semaphore_mem>>)
    %scan3A = arith.constant 0 : i32
    %scan3A_90 = arith.constant 40 : i32
    %scan3A_91 = arith.addi %scan3A, %scan3A_90 : i32
    %scan3A_92 = arith.constant 1 : i32
    scf.for %scan3A_95 = %scan3A to %scan3A_91 step %scan3A_92  : i32 {
      %mul3A_96 = arith.constant 1 : i32
      %mul3A_97 = arith.muli %scan3A_95, %mul3A_96 : i32
      %add3A_98 = arith.constant 0 : i32
      %add3A_99 = arith.addi %add3A_98, %mul3A_97 : i32
      %mul3A_100 = arith.constant 2 : i32
      %mul3A_101 = arith.muli %add3A_99, %mul3A_100 : i32
      %add3A_102 = arith.constant 0 : i32
      %add3A_103 = arith.addi %mul3A_101, %add3A_102 : i32
      %dma_wait3A_104 = arith.constant 0 : i32
      %dma_wait3A_105 = arith.constant 0 : i32
      %dma_wait3A_106 = arith.constant 0 : i32
      %dma_wait3A_107 = arith.constant 0 : i32
      %dma_wait3A_108 = arith.constant 0 : i32
      %dma_wait3A_109 = arith.constant 0 : i32
      %dma_wait3A_110 = tpu.memref_slice %arg8[%dma_wait3A_106, %dma_wait3A_108, %dma_wait3A_109] : memref<2x256x64xf32, #tpu.memory_space<vmem>> -> memref<1x256x64xf32, #tpu.memory_space<vmem>>
      %dma_wait3A_111 = tpu.memref_squeeze %dma_wait3A_110 : memref<1x256x64xf32, #tpu.memory_space<vmem>> -> memref<256x64xf32, #tpu.memory_space<vmem>>
      %dma_wait3A_112 = arith.constant 0 : i32
      %dma_wait3A_113 = tpu.memref_slice %arg7[%dma_wait3A_104, %dma_wait3A_105, %dma_wait3A_112] : memref<2x2x256xi32, #tpu.memory_space<vmem>> -> memref<1x1x256xi32, #tpu.memory_space<vmem>>
      %dma_wait3A_114 = tpu.memref_squeeze %dma_wait3A_113 : memref<1x1x256xi32, #tpu.memory_space<vmem>> -> memref<256xi32, #tpu.memory_space<vmem>>
      %dma_wait3A_115 = arith.constant 0 : i32
      %dma_wait3A_116 = arith.constant 0 : i32
      %dma_wait3A_117 = tpu.memref_slice %arg12[%dma_wait3A_115, %dma_wait3A_116] : memref<10240x64xf32, #tpu.memory_space<vmem_shared>> -> memref<10240x64xf32, #tpu.memory_space<vmem_shared>>
      %dma_wait3A_118 = tpu.memref_slice %arg15[%dma_wait3A_107] : memref<2x!tpu.dma_semaphore, #tpu.memory_space<semaphore_mem>> -> memref<1x!tpu.dma_semaphore, #tpu.memory_space<semaphore_mem>>
      %dma_wait3A_119 = tpu.memref_squeeze %dma_wait3A_118 : memref<1x!tpu.dma_semaphore, #tpu.memory_space<semaphore_mem>> -> memref<!tpu.dma_semaphore, #tpu.memory_space<semaphore_mem>>
      tpu.wait_indirect_dma semaphore(%dma_wait3A_119 : memref<!tpu.dma_semaphore, #tpu.memory_space<semaphore_mem>>) src(%dma_wait3A_117 : memref<10240x64xf32, #tpu.memory_space<vmem_shared>>) dst(%dma_wait3A_111 : memref<256x64xf32, #tpu.memory_space<vmem>>)
      %add3A_120 = arith.constant 1 : i32
      %add3A_121 = arith.addi %add3A_103, %add3A_120 : i32
      %lt3A = arith.constant 80 : i32
      %lt3A_122 = arith.cmpi slt, %add3A_121, %lt3A : i32
      %convert_element_type3A = arith.extui %lt3A_122 : i1 to i32
      %cond3A = arith.constant 0 : i32
      %cond3A_123 = arith.cmpi ne, %convert_element_type3A, %cond3A : i32
      scf.if %cond3A_123 {
        %add3A_170 = arith.constant 1 : i32
        %add3A_171 = arith.addi %add3A_103, %add3A_170 : i32
        %dma_wait3A_172 = arith.constant 1 : i32
        %dma_wait3A_173 = arith.constant 1 : i32
        %dma_wait3A_174 = arith.constant 0 : i32
        %dma_wait3A_175 = arith.constant 0 : i32
        %dma_wait3A_176 = tpu.memref_slice %arg7[%dma_wait3A_172, %dma_wait3A_174, %dma_wait3A_175] : memref<2x2x256xi32, #tpu.memory_space<vmem>> -> memref<1x2x256xi32, #tpu.memory_space<vmem>>
        %dma_wait3A_177 = tpu.memref_squeeze %dma_wait3A_176 : memref<1x2x256xi32, #tpu.memory_space<vmem>> -> memref<2x256xi32, #tpu.memory_space<vmem>>
        %dma_wait3A_178 = arith.constant 0 : i32
        %dma_wait3A_179 = arith.constant 0 : i32
        %dma_wait3A_180 = tpu.memref_slice %arg3[%arg1, %add3A_171, %dma_wait3A_178, %dma_wait3A_179] : memref<16x80x2x256xi32, #tpu.memory_space<hbm>> -> memref<1x1x2x256xi32, #tpu.memory_space<hbm>>
        %dma_wait3A_181 = tpu.memref_squeeze %dma_wait3A_180 : memref<1x1x2x256xi32, #tpu.memory_space<hbm>> -> memref<2x256xi32, #tpu.memory_space<hbm>>
        %dma_wait3A_182 = tpu.memref_slice %arg16[%dma_wait3A_173] : memref<2x!tpu.dma_semaphore, #tpu.memory_space<semaphore_mem>> -> memref<1x!tpu.dma_semaphore, #tpu.memory_space<semaphore_mem>>
        %dma_wait3A_183 = tpu.memref_squeeze %dma_wait3A_182 : memref<1x!tpu.dma_semaphore, #tpu.memory_space<semaphore_mem>> -> memref<!tpu.dma_semaphore, #tpu.memory_space<semaphore_mem>>
        %dma_wait3A_184 = arith.constant 0 : i32
        %dma_wait3A_185 = arith.constant 0 : i32
        %dma_wait3A_186 = tpu.memref_slice %arg7[%dma_wait3A_172, %dma_wait3A_184, %dma_wait3A_185] : memref<2x2x256xi32, #tpu.memory_space<vmem>> -> memref<1x2x256xi32, #tpu.memory_space<vmem>>
        %dma_wait3A_187 = tpu.memref_squeeze %dma_wait3A_186 : memref<1x2x256xi32, #tpu.memory_space<vmem>> -> memref<2x256xi32, #tpu.memory_space<vmem>>
        %dma_wait3A_188 = arith.constant 0 : i32
        %dma_wait3A_189 = arith.constant 0 : i32
        %dma_wait3A_190 = tpu.memref_slice %arg3[%arg1, %add3A_171, %dma_wait3A_188, %dma_wait3A_189] : memref<16x80x2x256xi32, #tpu.memory_space<hbm>> -> memref<1x1x2x256xi32, #tpu.memory_space<hbm>>
        %dma_wait3A_191 = tpu.memref_squeeze %dma_wait3A_190 : memref<1x1x2x256xi32, #tpu.memory_space<hbm>> -> memref<2x256xi32, #tpu.memory_space<hbm>>
        tpu.wait_dma2 semaphore(%dma_wait3A_183 : memref<!tpu.dma_semaphore, #tpu.memory_space<semaphore_mem>>) src(%dma_wait3A_191 : memref<2x256xi32, #tpu.memory_space<hbm>>) dst(%dma_wait3A_187 : memref<2x256xi32, #tpu.memory_space<vmem>>)
        %dma_start3A_192 = arith.constant 1 : i32
        %dma_start3A_193 = arith.constant 0 : i32
        %dma_start3A_194 = arith.constant 1 : i32
        %dma_start3A_195 = arith.constant 1 : i32
        %dma_start3A_196 = arith.constant 0 : i32
        %dma_start3A_197 = arith.constant 0 : i32
        %dma_start3A_198 = tpu.memref_slice %arg8[%dma_start3A_194, %dma_start3A_196, %dma_start3A_197] : memref<2x256x64xf32, #tpu.memory_space<vmem>> -> memref<1x256x64xf32, #tpu.memory_space<vmem>>
        %dma_start3A_199 = tpu.memref_squeeze %dma_start3A_198 : memref<1x256x64xf32, #tpu.memory_space<vmem>> -> memref<256x64xf32, #tpu.memory_space<vmem>>
        %dma_start3A_200 = arith.constant 0 : i32
        %dma_start3A_201 = tpu.memref_slice %arg7[%dma_start3A_192, %dma_start3A_193, %dma_start3A_200] : memref<2x2x256xi32, #tpu.memory_space<vmem>> -> memref<1x1x256xi32, #tpu.memory_space<vmem>>
        %dma_start3A_202 = tpu.memref_squeeze %dma_start3A_201 : memref<1x1x256xi32, #tpu.memory_space<vmem>> -> memref<256xi32, #tpu.memory_space<vmem>>
        %dma_start3A_203 = arith.constant 0 : i32
        %dma_start3A_204 = arith.constant 0 : i32
        %dma_start3A_205 = tpu.memref_slice %arg12[%dma_start3A_203, %dma_start3A_204] : memref<10240x64xf32, #tpu.memory_space<vmem_shared>> -> memref<10240x64xf32, #tpu.memory_space<vmem_shared>>
        %dma_start3A_206 = tpu.memref_slice %arg15[%dma_start3A_195] : memref<2x!tpu.dma_semaphore, #tpu.memory_space<semaphore_mem>> -> memref<1x!tpu.dma_semaphore, #tpu.memory_space<semaphore_mem>>
        %dma_start3A_207 = tpu.memref_squeeze %dma_start3A_206 : memref<1x!tpu.dma_semaphore, #tpu.memory_space<semaphore_mem>> -> memref<!tpu.dma_semaphore, #tpu.memory_space<semaphore_mem>>
        tpu.enqueue_indirect_dma source(%dma_start3A_205 : memref<10240x64xf32, #tpu.memory_space<vmem_shared>>) target(%dma_start3A_199 : memref<256x64xf32, #tpu.memory_space<vmem>>) offsets(%dma_start3A_202 : memref<256xi32, #tpu.memory_space<vmem>>) semaphore(%dma_start3A_207 : memref<!tpu.dma_semaphore, #tpu.memory_space<semaphore_mem>>)
      } else {
      }
      %run_scoped3A = arith.constant 0 : i32
      %run_scoped3A_124 = arith.constant 0 : i32
      %run_scoped3A_125 = arith.constant 1 : i32
      "tpu.region"() ({
        %run_scoped3A_170 = tpu.sem_alloc : memref<!tpu.dma_semaphore, #tpu.memory_space<semaphore_mem>>
        %dma_start3A_171 = arith.constant 0 : i32
        %dma_start3A_172 = arith.constant 0 : i32
        %dma_start3A_173 = tpu.memref_slice %arg8[%run_scoped3A, %dma_start3A_171, %dma_start3A_172] : memref<2x256x64xf32, #tpu.memory_space<vmem>> -> memref<1x256x64xf32, #tpu.memory_space<vmem>>
        %dma_start3A_174 = tpu.memref_squeeze %dma_start3A_173 : memref<1x256x64xf32, #tpu.memory_space<vmem>> -> memref<256x64xf32, #tpu.memory_space<vmem>>
        %dma_start3A_175 = arith.constant 0 : i32
        %dma_start3A_176 = tpu.memref_slice %arg7[%run_scoped3A_124, %run_scoped3A_125, %dma_start3A_175] : memref<2x2x256xi32, #tpu.memory_space<vmem>> -> memref<1x1x256xi32, #tpu.memory_space<vmem>>
        %dma_start3A_177 = tpu.memref_squeeze %dma_start3A_176 : memref<1x1x256xi32, #tpu.memory_space<vmem>> -> memref<256xi32, #tpu.memory_space<vmem>>
        %dma_start3A_178 = arith.constant 0 : i32
        %dma_start3A_179 = arith.constant 0 : i32
        %dma_start3A_180 = tpu.memref_slice %arg13[%dma_start3A_178, %dma_start3A_179] : memref<10240x64xf32, #tpu.memory_space<vmem_shared>> -> memref<10240x64xf32, #tpu.memory_space<vmem_shared>>
        tpu.enqueue_indirect_dma source(%dma_start3A_174 : memref<256x64xf32, #tpu.memory_space<vmem>>) target(%dma_start3A_180 : memref<10240x64xf32, #tpu.memory_space<vmem_shared>>) offsets(%dma_start3A_177 : memref<256xi32, #tpu.memory_space<vmem>>) semaphore(%run_scoped3A_170 : memref<!tpu.dma_semaphore, #tpu.memory_space<semaphore_mem>>) {add = true}
        %dma_wait3A_181 = arith.constant 0 : i32
        %dma_wait3A_182 = arith.constant 0 : i32
        %dma_wait3A_183 = tpu.memref_slice %arg8[%run_scoped3A, %dma_wait3A_181, %dma_wait3A_182] : memref<2x256x64xf32, #tpu.memory_space<vmem>> -> memref<1x256x64xf32, #tpu.memory_space<vmem>>
        %dma_wait3A_184 = tpu.memref_squeeze %dma_wait3A_183 : memref<1x256x64xf32, #tpu.memory_space<vmem>> -> memref<256x64xf32, #tpu.memory_space<vmem>>
        %dma_wait3A_185 = arith.constant 0 : i32
        %dma_wait3A_186 = tpu.memref_slice %arg7[%run_scoped3A_124, %run_scoped3A_125, %dma_wait3A_185] : memref<2x2x256xi32, #tpu.memory_space<vmem>> -> memref<1x1x256xi32, #tpu.memory_space<vmem>>
        %dma_wait3A_187 = tpu.memref_squeeze %dma_wait3A_186 : memref<1x1x256xi32, #tpu.memory_space<vmem>> -> memref<256xi32, #tpu.memory_space<vmem>>
        %dma_wait3A_188 = arith.constant 0 : i32
        %dma_wait3A_189 = arith.constant 0 : i32
        %dma_wait3A_190 = tpu.memref_slice %arg13[%dma_wait3A_188, %dma_wait3A_189] : memref<10240x64xf32, #tpu.memory_space<vmem_shared>> -> memref<10240x64xf32, #tpu.memory_space<vmem_shared>>
        tpu.wait_indirect_dma semaphore(%run_scoped3A_170 : memref<!tpu.dma_semaphore, #tpu.memory_space<semaphore_mem>>) src(%dma_wait3A_184 : memref<256x64xf32, #tpu.memory_space<vmem>>) dst(%dma_wait3A_190 : memref<10240x64xf32, #tpu.memory_space<vmem_shared>>)
        tpu.yield
      }) : () -> ()
      %add3A_126 = arith.constant 2 : i32
      %add3A_127 = arith.addi %add3A_103, %add3A_126 : i32
      %lt3A_128 = arith.constant 80 : i32
      %lt3A_129 = arith.cmpi slt, %add3A_127, %lt3A_128 : i32
      %convert_element_type3A_130 = arith.extui %lt3A_129 : i1 to i32
      %cond3A_131 = arith.constant 0 : i32
      %cond3A_132 = arith.cmpi ne, %convert_element_type3A_130, %cond3A_131 : i32
      scf.if %cond3A_132 {
        %add3A_170 = arith.constant 2 : i32
        %add3A_171 = arith.addi %add3A_103, %add3A_170 : i32
        %dma_start3A_172 = arith.constant 0 : i32
        %dma_start3A_173 = arith.constant 0 : i32
        %dma_start3A_174 = arith.constant 0 : i32
        %dma_start3A_175 = arith.constant 0 : i32
        %dma_start3A_176 = tpu.memref_slice %arg7[%dma_start3A_172, %dma_start3A_174, %dma_start3A_175] : memref<2x2x256xi32, #tpu.memory_space<vmem>> -> memref<1x2x256xi32, #tpu.memory_space<vmem>>
        %dma_start3A_177 = tpu.memref_squeeze %dma_start3A_176 : memref<1x2x256xi32, #tpu.memory_space<vmem>> -> memref<2x256xi32, #tpu.memory_space<vmem>>
        %dma_start3A_178 = arith.constant 0 : i32
        %dma_start3A_179 = arith.constant 0 : i32
        %dma_start3A_180 = tpu.memref_slice %arg3[%arg1, %add3A_171, %dma_start3A_178, %dma_start3A_179] : memref<16x80x2x256xi32, #tpu.memory_space<hbm>> -> memref<1x1x2x256xi32, #tpu.memory_space<hbm>>
        %dma_start3A_181 = tpu.memref_squeeze %dma_start3A_180 : memref<1x1x2x256xi32, #tpu.memory_space<hbm>> -> memref<2x256xi32, #tpu.memory_space<hbm>>
        %dma_start3A_182 = tpu.memref_slice %arg16[%dma_start3A_173] : memref<2x!tpu.dma_semaphore, #tpu.memory_space<semaphore_mem>> -> memref<1x!tpu.dma_semaphore, #tpu.memory_space<semaphore_mem>>
        %dma_start3A_183 = tpu.memref_squeeze %dma_start3A_182 : memref<1x!tpu.dma_semaphore, #tpu.memory_space<semaphore_mem>> -> memref<!tpu.dma_semaphore, #tpu.memory_space<semaphore_mem>>
        %dma_start3A_184 = arith.constant 0 : i32
        %dma_start3A_185 = arith.constant 0 : i32
        %dma_start3A_186 = tpu.memref_slice %arg7[%dma_start3A_172, %dma_start3A_184, %dma_start3A_185] : memref<2x2x256xi32, #tpu.memory_space<vmem>> -> memref<1x2x256xi32, #tpu.memory_space<vmem>>
        %dma_start3A_187 = tpu.memref_squeeze %dma_start3A_186 : memref<1x2x256xi32, #tpu.memory_space<vmem>> -> memref<2x256xi32, #tpu.memory_space<vmem>>
        %dma_start3A_188 = arith.constant 0 : i32
        %dma_start3A_189 = arith.constant 0 : i32
        %dma_start3A_190 = tpu.memref_slice %arg3[%arg1, %add3A_171, %dma_start3A_188, %dma_start3A_189] : memref<16x80x2x256xi32, #tpu.memory_space<hbm>> -> memref<1x1x2x256xi32, #tpu.memory_space<hbm>>
        %dma_start3A_191 = tpu.memref_squeeze %dma_start3A_190 : memref<1x1x2x256xi32, #tpu.memory_space<hbm>> -> memref<2x256xi32, #tpu.memory_space<hbm>>
        tpu.enqueue_dma source(%dma_start3A_191 : memref<2x256xi32, #tpu.memory_space<hbm>>) target(%dma_start3A_187 : memref<2x256xi32, #tpu.memory_space<vmem>>) target_semaphore(%dma_start3A_183 : memref<!tpu.dma_semaphore, #tpu.memory_space<semaphore_mem>>)
      } else {
      }
      %mul3A_133 = arith.constant 2 : i32
      %mul3A_134 = arith.muli %add3A_99, %mul3A_133 : i32
      %add3A_135 = arith.constant 1 : i32
      %add3A_136 = arith.addi %mul3A_134, %add3A_135 : i32
      %dma_wait3A_137 = arith.constant 1 : i32
      %dma_wait3A_138 = arith.constant 0 : i32
      %dma_wait3A_139 = arith.constant 1 : i32
      %dma_wait3A_140 = arith.constant 1 : i32
      %dma_wait3A_141 = arith.constant 0 : i32
      %dma_wait3A_142 = arith.constant 0 : i32
      %dma_wait3A_143 = tpu.memref_slice %arg8[%dma_wait3A_139, %dma_wait3A_141, %dma_wait3A_142] : memref<2x256x64xf32, #tpu.memory_space<vmem>> -> memref<1x256x64xf32, #tpu.memory_space<vmem>>
      %dma_wait3A_144 = tpu.memref_squeeze %dma_wait3A_143 : memref<1x256x64xf32, #tpu.memory_space<vmem>> -> memref<256x64xf32, #tpu.memory_space<vmem>>
      %dma_wait3A_145 = arith.constant 0 : i32
      %dma_wait3A_146 = tpu.memref_slice %arg7[%dma_wait3A_137, %dma_wait3A_138, %dma_wait3A_145] : memref<2x2x256xi32, #tpu.memory_space<vmem>> -> memref<1x1x256xi32, #tpu.memory_space<vmem>>
      %dma_wait3A_147 = tpu.memref_squeeze %dma_wait3A_146 : memref<1x1x256xi32, #tpu.memory_space<vmem>> -> memref<256xi32, #tpu.memory_space<vmem>>
      %dma_wait3A_148 = arith.constant 0 : i32
      %dma_wait3A_149 = arith.constant 0 : i32
      %dma_wait3A_150 = tpu.memref_slice %arg12[%dma_wait3A_148, %dma_wait3A_149] : memref<10240x64xf32, #tpu.memory_space<vmem_shared>> -> memref<10240x64xf32, #tpu.memory_space<vmem_shared>>
      %dma_wait3A_151 = tpu.memref_slice %arg15[%dma_wait3A_140] : memref<2x!tpu.dma_semaphore, #tpu.memory_space<semaphore_mem>> -> memref<1x!tpu.dma_semaphore, #tpu.memory_space<semaphore_mem>>
      %dma_wait3A_152 = tpu.memref_squeeze %dma_wait3A_151 : memref<1x!tpu.dma_semaphore, #tpu.memory_space<semaphore_mem>> -> memref<!tpu.dma_semaphore, #tpu.memory_space<semaphore_mem>>
      tpu.wait_indirect_dma semaphore(%dma_wait3A_152 : memref<!tpu.dma_semaphore, #tpu.memory_space<semaphore_mem>>) src(%dma_wait3A_150 : memref<10240x64xf32, #tpu.memory_space<vmem_shared>>) dst(%dma_wait3A_144 : memref<256x64xf32, #tpu.memory_space<vmem>>)
      %add3A_153 = arith.constant 1 : i32
      %add3A_154 = arith.addi %add3A_136, %add3A_153 : i32
      %lt3A_155 = arith.constant 80 : i32
      %lt3A_156 = arith.cmpi slt, %add3A_154, %lt3A_155 : i32
      %convert_element_type3A_157 = arith.extui %lt3A_156 : i1 to i32
      %cond3A_158 = arith.constant 0 : i32
      %cond3A_159 = arith.cmpi ne, %convert_element_type3A_157, %cond3A_158 : i32
      scf.if %cond3A_159 {
        %add3A_170 = arith.constant 1 : i32
        %add3A_171 = arith.addi %add3A_136, %add3A_170 : i32
        %dma_wait3A_172 = arith.constant 0 : i32
        %dma_wait3A_173 = arith.constant 0 : i32
        %dma_wait3A_174 = arith.constant 0 : i32
        %dma_wait3A_175 = arith.constant 0 : i32
        %dma_wait3A_176 = tpu.memref_slice %arg7[%dma_wait3A_172, %dma_wait3A_174, %dma_wait3A_175] : memref<2x2x256xi32, #tpu.memory_space<vmem>> -> memref<1x2x256xi32, #tpu.memory_space<vmem>>
        %dma_wait3A_177 = tpu.memref_squeeze %dma_wait3A_176 : memref<1x2x256xi32, #tpu.memory_space<vmem>> -> memref<2x256xi32, #tpu.memory_space<vmem>>
        %dma_wait3A_178 = arith.constant 0 : i32
        %dma_wait3A_179 = arith.constant 0 : i32
        %dma_wait3A_180 = tpu.memref_slice %arg3[%arg1, %add3A_171, %dma_wait3A_178, %dma_wait3A_179] : memref<16x80x2x256xi32, #tpu.memory_space<hbm>> -> memref<1x1x2x256xi32, #tpu.memory_space<hbm>>
        %dma_wait3A_181 = tpu.memref_squeeze %dma_wait3A_180 : memref<1x1x2x256xi32, #tpu.memory_space<hbm>> -> memref<2x256xi32, #tpu.memory_space<hbm>>
        %dma_wait3A_182 = tpu.memref_slice %arg16[%dma_wait3A_173] : memref<2x!tpu.dma_semaphore, #tpu.memory_space<semaphore_mem>> -> memref<1x!tpu.dma_semaphore, #tpu.memory_space<semaphore_mem>>
        %dma_wait3A_183 = tpu.memref_squeeze %dma_wait3A_182 : memref<1x!tpu.dma_semaphore, #tpu.memory_space<semaphore_mem>> -> memref<!tpu.dma_semaphore, #tpu.memory_space<semaphore_mem>>
        %dma_wait3A_184 = arith.constant 0 : i32
        %dma_wait3A_185 = arith.constant 0 : i32
        %dma_wait3A_186 = tpu.memref_slice %arg7[%dma_wait3A_172, %dma_wait3A_184, %dma_wait3A_185] : memref<2x2x256xi32, #tpu.memory_space<vmem>> -> memref<1x2x256xi32, #tpu.memory_space<vmem>>
        %dma_wait3A_187 = tpu.memref_squeeze %dma_wait3A_186 : memref<1x2x256xi32, #tpu.memory_space<vmem>> -> memref<2x256xi32, #tpu.memory_space<vmem>>
        %dma_wait3A_188 = arith.constant 0 : i32
        %dma_wait3A_189 = arith.constant 0 : i32
        %dma_wait3A_190 = tpu.memref_slice %arg3[%arg1, %add3A_171, %dma_wait3A_188, %dma_wait3A_189] : memref<16x80x2x256xi32, #tpu.memory_space<hbm>> -> memref<1x1x2x256xi32, #tpu.memory_space<hbm>>
        %dma_wait3A_191 = tpu.memref_squeeze %dma_wait3A_190 : memref<1x1x2x256xi32, #tpu.memory_space<hbm>> -> memref<2x256xi32, #tpu.memory_space<hbm>>
        tpu.wait_dma2 semaphore(%dma_wait3A_183 : memref<!tpu.dma_semaphore, #tpu.memory_space<semaphore_mem>>) src(%dma_wait3A_191 : memref<2x256xi32, #tpu.memory_space<hbm>>) dst(%dma_wait3A_187 : memref<2x256xi32, #tpu.memory_space<vmem>>)
        %dma_start3A_192 = arith.constant 0 : i32
        %dma_start3A_193 = arith.constant 0 : i32
        %dma_start3A_194 = arith.constant 0 : i32
        %dma_start3A_195 = arith.constant 0 : i32
        %dma_start3A_196 = arith.constant 0 : i32
        %dma_start3A_197 = arith.constant 0 : i32
        %dma_start3A_198 = tpu.memref_slice %arg8[%dma_start3A_194, %dma_start3A_196, %dma_start3A_197] : memref<2x256x64xf32, #tpu.memory_space<vmem>> -> memref<1x256x64xf32, #tpu.memory_space<vmem>>
        %dma_start3A_199 = tpu.memref_squeeze %dma_start3A_198 : memref<1x256x64xf32, #tpu.memory_space<vmem>> -> memref<256x64xf32, #tpu.memory_space<vmem>>
        %dma_start3A_200 = arith.constant 0 : i32
        %dma_start3A_201 = tpu.memref_slice %arg7[%dma_start3A_192, %dma_start3A_193, %dma_start3A_200] : memref<2x2x256xi32, #tpu.memory_space<vmem>> -> memref<1x1x256xi32, #tpu.memory_space<vmem>>
        %dma_start3A_202 = tpu.memref_squeeze %dma_start3A_201 : memref<1x1x256xi32, #tpu.memory_space<vmem>> -> memref<256xi32, #tpu.memory_space<vmem>>
        %dma_start3A_203 = arith.constant 0 : i32
        %dma_start3A_204 = arith.constant 0 : i32
        %dma_start3A_205 = tpu.memref_slice %arg12[%dma_start3A_203, %dma_start3A_204] : memref<10240x64xf32, #tpu.memory_space<vmem_shared>> -> memref<10240x64xf32, #tpu.memory_space<vmem_shared>>
        %dma_start3A_206 = tpu.memref_slice %arg15[%dma_start3A_195] : memref<2x!tpu.dma_semaphore, #tpu.memory_space<semaphore_mem>> -> memref<1x!tpu.dma_semaphore, #tpu.memory_space<semaphore_mem>>
        %dma_start3A_207 = tpu.memref_squeeze %dma_start3A_206 : memref<1x!tpu.dma_semaphore, #tpu.memory_space<semaphore_mem>> -> memref<!tpu.dma_semaphore, #tpu.memory_space<semaphore_mem>>
        tpu.enqueue_indirect_dma source(%dma_start3A_205 : memref<10240x64xf32, #tpu.memory_space<vmem_shared>>) target(%dma_start3A_199 : memref<256x64xf32, #tpu.memory_space<vmem>>) offsets(%dma_start3A_202 : memref<256xi32, #tpu.memory_space<vmem>>) semaphore(%dma_start3A_207 : memref<!tpu.dma_semaphore, #tpu.memory_space<semaphore_mem>>)
      } else {
      }
      %run_scoped3A_160 = arith.constant 1 : i32
      %run_scoped3A_161 = arith.constant 1 : i32
      %run_scoped3A_162 = arith.constant 1 : i32
      "tpu.region"() ({
        %run_scoped3A_170 = tpu.sem_alloc : memref<!tpu.dma_semaphore, #tpu.memory_space<semaphore_mem>>
        %dma_start3A_171 = arith.constant 0 : i32
        %dma_start3A_172 = arith.constant 0 : i32
        %dma_start3A_173 = tpu.memref_slice %arg8[%run_scoped3A_160, %dma_start3A_171, %dma_start3A_172] : memref<2x256x64xf32, #tpu.memory_space<vmem>> -> memref<1x256x64xf32, #tpu.memory_space<vmem>>
        %dma_start3A_174 = tpu.memref_squeeze %dma_start3A_173 : memref<1x256x64xf32, #tpu.memory_space<vmem>> -> memref<256x64xf32, #tpu.memory_space<vmem>>
        %dma_start3A_175 = arith.constant 0 : i32
        %dma_start3A_176 = tpu.memref_slice %arg7[%run_scoped3A_161, %run_scoped3A_162, %dma_start3A_175] : memref<2x2x256xi32, #tpu.memory_space<vmem>> -> memref<1x1x256xi32, #tpu.memory_space<vmem>>
        %dma_start3A_177 = tpu.memref_squeeze %dma_start3A_176 : memref<1x1x256xi32, #tpu.memory_space<vmem>> -> memref<256xi32, #tpu.memory_space<vmem>>
        %dma_start3A_178 = arith.constant 0 : i32
        %dma_start3A_179 = arith.constant 0 : i32
        %dma_start3A_180 = tpu.memref_slice %arg13[%dma_start3A_178, %dma_start3A_179] : memref<10240x64xf32, #tpu.memory_space<vmem_shared>> -> memref<10240x64xf32, #tpu.memory_space<vmem_shared>>
        tpu.enqueue_indirect_dma source(%dma_start3A_174 : memref<256x64xf32, #tpu.memory_space<vmem>>) target(%dma_start3A_180 : memref<10240x64xf32, #tpu.memory_space<vmem_shared>>) offsets(%dma_start3A_177 : memref<256xi32, #tpu.memory_space<vmem>>) semaphore(%run_scoped3A_170 : memref<!tpu.dma_semaphore, #tpu.memory_space<semaphore_mem>>) {add = true}
        %dma_wait3A_181 = arith.constant 0 : i32
        %dma_wait3A_182 = arith.constant 0 : i32
        %dma_wait3A_183 = tpu.memref_slice %arg8[%run_scoped3A_160, %dma_wait3A_181, %dma_wait3A_182] : memref<2x256x64xf32, #tpu.memory_space<vmem>> -> memref<1x256x64xf32, #tpu.memory_space<vmem>>
        %dma_wait3A_184 = tpu.memref_squeeze %dma_wait3A_183 : memref<1x256x64xf32, #tpu.memory_space<vmem>> -> memref<256x64xf32, #tpu.memory_space<vmem>>
        %dma_wait3A_185 = arith.constant 0 : i32
        %dma_wait3A_186 = tpu.memref_slice %arg7[%run_scoped3A_161, %run_scoped3A_162, %dma_wait3A_185] : memref<2x2x256xi32, #tpu.memory_space<vmem>> -> memref<1x1x256xi32, #tpu.memory_space<vmem>>
        %dma_wait3A_187 = tpu.memref_squeeze %dma_wait3A_186 : memref<1x1x256xi32, #tpu.memory_space<vmem>> -> memref<256xi32, #tpu.memory_space<vmem>>
        %dma_wait3A_188 = arith.constant 0 : i32
        %dma_wait3A_189 = arith.constant 0 : i32
        %dma_wait3A_190 = tpu.memref_slice %arg13[%dma_wait3A_188, %dma_wait3A_189] : memref<10240x64xf32, #tpu.memory_space<vmem_shared>> -> memref<10240x64xf32, #tpu.memory_space<vmem_shared>>
        tpu.wait_indirect_dma semaphore(%run_scoped3A_170 : memref<!tpu.dma_semaphore, #tpu.memory_space<semaphore_mem>>) src(%dma_wait3A_184 : memref<256x64xf32, #tpu.memory_space<vmem>>) dst(%dma_wait3A_190 : memref<10240x64xf32, #tpu.memory_space<vmem_shared>>)
        tpu.yield
      }) : () -> ()
      %add3A_163 = arith.constant 2 : i32
      %add3A_164 = arith.addi %add3A_136, %add3A_163 : i32
      %lt3A_165 = arith.constant 80 : i32
      %lt3A_166 = arith.cmpi slt, %add3A_164, %lt3A_165 : i32
      %convert_element_type3A_167 = arith.extui %lt3A_166 : i1 to i32
      %cond3A_168 = arith.constant 0 : i32
      %cond3A_169 = arith.cmpi ne, %convert_element_type3A_167, %cond3A_168 : i32
      scf.if %cond3A_169 {
        %add3A_170 = arith.constant 2 : i32
        %add3A_171 = arith.addi %add3A_136, %add3A_170 : i32
        %dma_start3A_172 = arith.constant 1 : i32
        %dma_start3A_173 = arith.constant 1 : i32
        %dma_start3A_174 = arith.constant 0 : i32
        %dma_start3A_175 = arith.constant 0 : i32
        %dma_start3A_176 = tpu.memref_slice %arg7[%dma_start3A_172, %dma_start3A_174, %dma_start3A_175] : memref<2x2x256xi32, #tpu.memory_space<vmem>> -> memref<1x2x256xi32, #tpu.memory_space<vmem>>
        %dma_start3A_177 = tpu.memref_squeeze %dma_start3A_176 : memref<1x2x256xi32, #tpu.memory_space<vmem>> -> memref<2x256xi32, #tpu.memory_space<vmem>>
        %dma_start3A_178 = arith.constant 0 : i32
        %dma_start3A_179 = arith.constant 0 : i32
        %dma_start3A_180 = tpu.memref_slice %arg3[%arg1, %add3A_171, %dma_start3A_178, %dma_start3A_179] : memref<16x80x2x256xi32, #tpu.memory_space<hbm>> -> memref<1x1x2x256xi32, #tpu.memory_space<hbm>>
        %dma_start3A_181 = tpu.memref_squeeze %dma_start3A_180 : memref<1x1x2x256xi32, #tpu.memory_space<hbm>> -> memref<2x256xi32, #tpu.memory_space<hbm>>
        %dma_start3A_182 = tpu.memref_slice %arg16[%dma_start3A_173] : memref<2x!tpu.dma_semaphore, #tpu.memory_space<semaphore_mem>> -> memref<1x!tpu.dma_semaphore, #tpu.memory_space<semaphore_mem>>
        %dma_start3A_183 = tpu.memref_squeeze %dma_start3A_182 : memref<1x!tpu.dma_semaphore, #tpu.memory_space<semaphore_mem>> -> memref<!tpu.dma_semaphore, #tpu.memory_space<semaphore_mem>>
        %dma_start3A_184 = arith.constant 0 : i32
        %dma_start3A_185 = arith.constant 0 : i32
        %dma_start3A_186 = tpu.memref_slice %arg7[%dma_start3A_172, %dma_start3A_184, %dma_start3A_185] : memref<2x2x256xi32, #tpu.memory_space<vmem>> -> memref<1x2x256xi32, #tpu.memory_space<vmem>>
        %dma_start3A_187 = tpu.memref_squeeze %dma_start3A_186 : memref<1x2x256xi32, #tpu.memory_space<vmem>> -> memref<2x256xi32, #tpu.memory_space<vmem>>
        %dma_start3A_188 = arith.constant 0 : i32
        %dma_start3A_189 = arith.constant 0 : i32
        %dma_start3A_190 = tpu.memref_slice %arg3[%arg1, %add3A_171, %dma_start3A_188, %dma_start3A_189] : memref<16x80x2x256xi32, #tpu.memory_space<hbm>> -> memref<1x1x2x256xi32, #tpu.memory_space<hbm>>
        %dma_start3A_191 = tpu.memref_squeeze %dma_start3A_190 : memref<1x1x2x256xi32, #tpu.memory_space<hbm>> -> memref<2x256xi32, #tpu.memory_space<hbm>>
        tpu.enqueue_dma source(%dma_start3A_191 : memref<2x256xi32, #tpu.memory_space<hbm>>) target(%dma_start3A_187 : memref<2x256xi32, #tpu.memory_space<vmem>>) target_semaphore(%dma_start3A_183 : memref<!tpu.dma_semaphore, #tpu.memory_space<semaphore_mem>>)
      } else {
      }
    }
    %scan3A_93 = arith.constant 40 : i32
    %barrier3A_94 = arith.constant 0 : index
    tpu.barrier barrier_id(%barrier3A_94)
    "tpu.region"() ({
      %run_scoped3A = tpu.sem_alloc : memref<!tpu.dma_semaphore, #tpu.memory_space<semaphore_mem>>
      %dma_start3A_95 = arith.constant 0 : i32
      %dma_start3A_96 = tpu.memref_slice %arg6[%arg0, %mul3A_0, %dma_start3A_95] : memref<2x10240x64xf32, #tpu.memory_space<hbm>> -> memref<1x640x64xf32, #tpu.memory_space<hbm>>
      %dma_start3A_97 = tpu.memref_squeeze %dma_start3A_96 : memref<1x640x64xf32, #tpu.memory_space<hbm>> -> memref<640x64xf32, #tpu.memory_space<hbm>>
      %dma_start3A_98 = arith.constant 0 : i32
      %dma_start3A_99 = tpu.memref_slice %arg13[%mul3A_0, %dma_start3A_98] : memref<10240x64xf32, #tpu.memory_space<vmem_shared>> -> memref<640x64xf32, #tpu.memory_space<vmem_shared>>
      tpu.enqueue_dma source(%dma_start3A_99 : memref<640x64xf32, #tpu.memory_space<vmem_shared>>) target(%dma_start3A_97 : memref<640x64xf32, #tpu.memory_space<hbm>>) target_semaphore(%run_scoped3A : memref<!tpu.dma_semaphore, #tpu.memory_space<semaphore_mem>>)
      %dma_wait3A_100 = arith.constant 0 : i32
      %dma_wait3A_101 = tpu.memref_slice %arg6[%arg0, %mul3A_0, %dma_wait3A_100] : memref<2x10240x64xf32, #tpu.memory_space<hbm>> -> memref<1x640x64xf32, #tpu.memory_space<hbm>>
      %dma_wait3A_102 = tpu.memref_squeeze %dma_wait3A_101 : memref<1x640x64xf32, #tpu.memory_space<hbm>> -> memref<640x64xf32, #tpu.memory_space<hbm>>
      %dma_wait3A_103 = arith.constant 0 : i32
      %dma_wait3A_104 = tpu.memref_slice %arg13[%mul3A_0, %dma_wait3A_103] : memref<10240x64xf32, #tpu.memory_space<vmem_shared>> -> memref<640x64xf32, #tpu.memory_space<vmem_shared>>
      tpu.wait_dma2 semaphore(%run_scoped3A : memref<!tpu.dma_semaphore, #tpu.memory_space<semaphore_mem>>) src(%dma_wait3A_104 : memref<640x64xf32, #tpu.memory_space<vmem_shared>>) dst(%dma_wait3A_102 : memref<640x64xf32, #tpu.memory_space<hbm>>)
      tpu.yield
    }) : () -> ()
    return
  }
}

#map = affine_map<(d0, d1) -> (0, 0)>
#map1 = affine_map<(d0, d1) -> (0, 0, 0, 0)>
#map2 = affine_map<(d0, d1) -> (0)>
#map3 = affine_map<(d0, d1) -> (0, 0, 0)>
module attributes {stable_mosaic.version = 14 : i64} {
  func.func @sc_segsum(%arg0: i32, %arg1: i32, %arg2: memref<20480x64xf32, #tpu.memory_space<hbm>>, %arg3: memref<16x80x2x256xi32, #tpu.memory_space<hbm>>, %arg4: memref<128x64xf32, #tpu.memory_space<hbm>>, %arg5: memref<640xf32, #tpu.memory_space<hbm>>, %arg6: memref<2x10240x64xf32, #tpu.memory_space<hbm>>, %arg7: memref<1x1x10240xf32, #tpu.memory_space<hbm>>, %arg8: memref<2x2x256xi32, #tpu.memory_space<vmem>>, %arg9: memref<2x256x64xf32, #tpu.memory_space<vmem>>, %arg10: memref<256xf32, #tpu.memory_space<vmem>>, %arg11: memref<128x64xf32, #tpu.memory_space<vmem>>, %arg12: memref<640xf32, #tpu.memory_space<vmem>>, %arg13: memref<10240x64xf32, #tpu.memory_space<vmem_shared>>, %arg14: memref<10240x64xf32, #tpu.memory_space<vmem_shared>>, %arg15: memref<10240xf32, #tpu.memory_space<vmem_shared>>, %arg16: memref<2x!tpu.dma_semaphore, #tpu.memory_space<semaphore_mem>>, %arg17: memref<2x!tpu.dma_semaphore, #tpu.memory_space<semaphore_mem>>) attributes {dimension_semantics = [#tpu.dimension_semantics<core_parallel>, #tpu.dimension_semantics<subcore_parallel>], iteration_bounds = array<i64: 2, 16>, scalar_prefetch = 0 : i64, scratch_operands = 10 : i64, tpu.core_type = #tpu.core_type<sc_vector_subcore>, window_params = [{transform_indices = #map}, {transform_indices = #map1}, {transform_indices = #map}, {transform_indices = #map2}, {transform_indices = #map3}, {transform_indices = #map3}]} {
    %mul3A = arith.constant 640 : i32
    %mul3A_0 = arith.muli %arg1, %mul3A : i32
    "tpu.region"() ({
      %run_scoped3A = tpu.sem_alloc : memref<!tpu.dma_semaphore, #tpu.memory_space<semaphore_mem>>
      tpu.enqueue_dma source(%arg4 : memref<128x64xf32, #tpu.memory_space<hbm>>) target(%arg11 : memref<128x64xf32, #tpu.memory_space<vmem>>) target_semaphore(%run_scoped3A : memref<!tpu.dma_semaphore, #tpu.memory_space<semaphore_mem>>)
      tpu.wait_dma2 semaphore(%run_scoped3A : memref<!tpu.dma_semaphore, #tpu.memory_space<semaphore_mem>>) src(%arg4 : memref<128x64xf32, #tpu.memory_space<hbm>>) dst(%arg11 : memref<128x64xf32, #tpu.memory_space<vmem>>)
      tpu.yield
    }) : () -> ()
    "tpu.region"() ({
      %run_scoped3A = tpu.sem_alloc : memref<!tpu.dma_semaphore, #tpu.memory_space<semaphore_mem>>
      tpu.enqueue_dma source(%arg5 : memref<640xf32, #tpu.memory_space<hbm>>) target(%arg12 : memref<640xf32, #tpu.memory_space<vmem>>) target_semaphore(%run_scoped3A : memref<!tpu.dma_semaphore, #tpu.memory_space<semaphore_mem>>)
      tpu.wait_dma2 semaphore(%run_scoped3A : memref<!tpu.dma_semaphore, #tpu.memory_space<semaphore_mem>>) src(%arg5 : memref<640xf32, #tpu.memory_space<hbm>>) dst(%arg12 : memref<640xf32, #tpu.memory_space<vmem>>)
      tpu.yield
    }) : () -> ()
    %dma_start3A = arith.constant 0 : i32
    %dma_start3A_1 = arith.constant 0 : i32
    %dma_start3A_2 = arith.constant 0 : i32
    %dma_start3A_3 = arith.constant 0 : i32
    %dma_start3A_4 = arith.constant 0 : i32
    %dma_start3A_5 = tpu.memref_slice %arg8[%dma_start3A_1, %dma_start3A_3, %dma_start3A_4] : memref<2x2x256xi32, #tpu.memory_space<vmem>> -> memref<1x2x256xi32, #tpu.memory_space<vmem>>
    %dma_start3A_6 = tpu.memref_squeeze %dma_start3A_5 : memref<1x2x256xi32, #tpu.memory_space<vmem>> -> memref<2x256xi32, #tpu.memory_space<vmem>>
    %dma_start3A_7 = arith.constant 0 : i32
    %dma_start3A_8 = arith.constant 0 : i32
    %dma_start3A_9 = tpu.memref_slice %arg3[%arg1, %dma_start3A, %dma_start3A_7, %dma_start3A_8] : memref<16x80x2x256xi32, #tpu.memory_space<hbm>> -> memref<1x1x2x256xi32, #tpu.memory_space<hbm>>
    %dma_start3A_10 = tpu.memref_squeeze %dma_start3A_9 : memref<1x1x2x256xi32, #tpu.memory_space<hbm>> -> memref<2x256xi32, #tpu.memory_space<hbm>>
    %dma_start3A_11 = tpu.memref_slice %arg17[%dma_start3A_2] : memref<2x!tpu.dma_semaphore, #tpu.memory_space<semaphore_mem>> -> memref<1x!tpu.dma_semaphore, #tpu.memory_space<semaphore_mem>>
    %dma_start3A_12 = tpu.memref_squeeze %dma_start3A_11 : memref<1x!tpu.dma_semaphore, #tpu.memory_space<semaphore_mem>> -> memref<!tpu.dma_semaphore, #tpu.memory_space<semaphore_mem>>
    %dma_start3A_13 = arith.constant 0 : i32
    %dma_start3A_14 = arith.constant 0 : i32
    %dma_start3A_15 = tpu.memref_slice %arg8[%dma_start3A_1, %dma_start3A_13, %dma_start3A_14] : memref<2x2x256xi32, #tpu.memory_space<vmem>> -> memref<1x2x256xi32, #tpu.memory_space<vmem>>
    %dma_start3A_16 = tpu.memref_squeeze %dma_start3A_15 : memref<1x2x256xi32, #tpu.memory_space<vmem>> -> memref<2x256xi32, #tpu.memory_space<vmem>>
    %dma_start3A_17 = arith.constant 0 : i32
    %dma_start3A_18 = arith.constant 0 : i32
    %dma_start3A_19 = tpu.memref_slice %arg3[%arg1, %dma_start3A, %dma_start3A_17, %dma_start3A_18] : memref<16x80x2x256xi32, #tpu.memory_space<hbm>> -> memref<1x1x2x256xi32, #tpu.memory_space<hbm>>
    %dma_start3A_20 = tpu.memref_squeeze %dma_start3A_19 : memref<1x1x2x256xi32, #tpu.memory_space<hbm>> -> memref<2x256xi32, #tpu.memory_space<hbm>>
    tpu.enqueue_dma source(%dma_start3A_20 : memref<2x256xi32, #tpu.memory_space<hbm>>) target(%dma_start3A_16 : memref<2x256xi32, #tpu.memory_space<vmem>>) target_semaphore(%dma_start3A_12 : memref<!tpu.dma_semaphore, #tpu.memory_space<semaphore_mem>>)
    %dma_start3A_21 = arith.constant 1 : i32
    %dma_start3A_22 = arith.constant 1 : i32
    %dma_start3A_23 = arith.constant 1 : i32
    %dma_start3A_24 = arith.constant 0 : i32
    %dma_start3A_25 = arith.constant 0 : i32
    %dma_start3A_26 = tpu.memref_slice %arg8[%dma_start3A_22, %dma_start3A_24, %dma_start3A_25] : memref<2x2x256xi32, #tpu.memory_space<vmem>> -> memref<1x2x256xi32, #tpu.memory_space<vmem>>
    %dma_start3A_27 = tpu.memref_squeeze %dma_start3A_26 : memref<1x2x256xi32, #tpu.memory_space<vmem>> -> memref<2x256xi32, #tpu.memory_space<vmem>>
    %dma_start3A_28 = arith.constant 0 : i32
    %dma_start3A_29 = arith.constant 0 : i32
    %dma_start3A_30 = tpu.memref_slice %arg3[%arg1, %dma_start3A_21, %dma_start3A_28, %dma_start3A_29] : memref<16x80x2x256xi32, #tpu.memory_space<hbm>> -> memref<1x1x2x256xi32, #tpu.memory_space<hbm>>
    %dma_start3A_31 = tpu.memref_squeeze %dma_start3A_30 : memref<1x1x2x256xi32, #tpu.memory_space<hbm>> -> memref<2x256xi32, #tpu.memory_space<hbm>>
    %dma_start3A_32 = tpu.memref_slice %arg17[%dma_start3A_23] : memref<2x!tpu.dma_semaphore, #tpu.memory_space<semaphore_mem>> -> memref<1x!tpu.dma_semaphore, #tpu.memory_space<semaphore_mem>>
    %dma_start3A_33 = tpu.memref_squeeze %dma_start3A_32 : memref<1x!tpu.dma_semaphore, #tpu.memory_space<semaphore_mem>> -> memref<!tpu.dma_semaphore, #tpu.memory_space<semaphore_mem>>
    %dma_start3A_34 = arith.constant 0 : i32
    %dma_start3A_35 = arith.constant 0 : i32
    %dma_start3A_36 = tpu.memref_slice %arg8[%dma_start3A_22, %dma_start3A_34, %dma_start3A_35] : memref<2x2x256xi32, #tpu.memory_space<vmem>> -> memref<1x2x256xi32, #tpu.memory_space<vmem>>
    %dma_start3A_37 = tpu.memref_squeeze %dma_start3A_36 : memref<1x2x256xi32, #tpu.memory_space<vmem>> -> memref<2x256xi32, #tpu.memory_space<vmem>>
    %dma_start3A_38 = arith.constant 0 : i32
    %dma_start3A_39 = arith.constant 0 : i32
    %dma_start3A_40 = tpu.memref_slice %arg3[%arg1, %dma_start3A_21, %dma_start3A_38, %dma_start3A_39] : memref<16x80x2x256xi32, #tpu.memory_space<hbm>> -> memref<1x1x2x256xi32, #tpu.memory_space<hbm>>
    %dma_start3A_41 = tpu.memref_squeeze %dma_start3A_40 : memref<1x1x2x256xi32, #tpu.memory_space<hbm>> -> memref<2x256xi32, #tpu.memory_space<hbm>>
    tpu.enqueue_dma source(%dma_start3A_41 : memref<2x256xi32, #tpu.memory_space<hbm>>) target(%dma_start3A_37 : memref<2x256xi32, #tpu.memory_space<vmem>>) target_semaphore(%dma_start3A_33 : memref<!tpu.dma_semaphore, #tpu.memory_space<semaphore_mem>>)
    %mul3A_42 = arith.constant 10240 : i32
    %mul3A_43 = arith.muli %arg0, %mul3A_42 : i32
    %add3A = arith.addi %mul3A_43, %mul3A_0 : i32
    "tpu.region"() ({
      %run_scoped3A = tpu.sem_alloc : memref<!tpu.dma_semaphore, #tpu.memory_space<semaphore_mem>>
      %dma_start3A_102 = arith.constant 0 : i32
      %dma_start3A_103 = tpu.memref_slice %arg13[%mul3A_0, %dma_start3A_102] : memref<10240x64xf32, #tpu.memory_space<vmem_shared>> -> memref<640x64xf32, #tpu.memory_space<vmem_shared>>
      %dma_start3A_104 = arith.constant 0 : i32
      %dma_start3A_105 = tpu.memref_slice %arg2[%add3A, %dma_start3A_104] : memref<20480x64xf32, #tpu.memory_space<hbm>> -> memref<640x64xf32, #tpu.memory_space<hbm>>
      tpu.enqueue_dma source(%dma_start3A_105 : memref<640x64xf32, #tpu.memory_space<hbm>>) target(%dma_start3A_103 : memref<640x64xf32, #tpu.memory_space<vmem_shared>>) target_semaphore(%run_scoped3A : memref<!tpu.dma_semaphore, #tpu.memory_space<semaphore_mem>>)
      %dma_wait3A_106 = arith.constant 0 : i32
      %dma_wait3A_107 = tpu.memref_slice %arg13[%mul3A_0, %dma_wait3A_106] : memref<10240x64xf32, #tpu.memory_space<vmem_shared>> -> memref<640x64xf32, #tpu.memory_space<vmem_shared>>
      %dma_wait3A_108 = arith.constant 0 : i32
      %dma_wait3A_109 = tpu.memref_slice %arg2[%add3A, %dma_wait3A_108] : memref<20480x64xf32, #tpu.memory_space<hbm>> -> memref<640x64xf32, #tpu.memory_space<hbm>>
      tpu.wait_dma2 semaphore(%run_scoped3A : memref<!tpu.dma_semaphore, #tpu.memory_space<semaphore_mem>>) src(%dma_wait3A_109 : memref<640x64xf32, #tpu.memory_space<hbm>>) dst(%dma_wait3A_107 : memref<640x64xf32, #tpu.memory_space<vmem_shared>>)
      tpu.yield
    }) : () -> ()
    %scan3A = arith.constant 0 : i32
    %scan3A_44 = arith.constant 16 : i32
    %scan3A_45 = arith.addi %scan3A, %scan3A_44 : i32
    %scan3A_46 = arith.constant 1 : i32
    scf.for %scan3A_102 = %scan3A to %scan3A_45 step %scan3A_46  : i32 {
      %mul3A_103 = arith.constant 1 : i32
      %mul3A_104 = arith.muli %scan3A_102, %mul3A_103 : i32
      %add3A_105 = arith.constant 0 : i32
      %add3A_106 = arith.addi %add3A_105, %mul3A_104 : i32
      %broadcast_in_dim3A = arith.constant 1.000000e+00 : f32
      %broadcast_in_dim3A_107 = vector.broadcast %broadcast_in_dim3A : f32 to vector<16xf32>
      %mul3A_108 = arith.constant 16 : i32
      %mul3A_109 = arith.muli %add3A_106, %mul3A_108 : i32
      %swap3A = arith.index_cast %mul3A_109 : i32 to index
      %swap3A_110 = tpu.vector_load %arg10[%swap3A] {strides = array<i32>} : memref<256xf32, #tpu.memory_space<vmem>>, vector<16xf32>,
      %swap3A_111 = vector.shape_cast %swap3A_110 : vector<16xf32> to vector<16xf32>
      %swap3A_112 = vector.shape_cast %broadcast_in_dim3A_107 : vector<16xf32> to vector<16xf32>
      tpu.vector_store %arg10[%swap3A], %swap3A_112 {strides = array<i32>} : memref<256xf32, #tpu.memory_space<vmem>>, vector<16xf32>,
    }
    %scan3A_47 = arith.constant 16 : i32
    %add3A_48 = arith.constant 0 : i32
    %add3A_49 = arith.addi %mul3A_0, %add3A_48 : i32
    "tpu.region"() ({
      %run_scoped3A = tpu.sem_alloc : memref<!tpu.dma_semaphore, #tpu.memory_space<semaphore_mem>>
      %dma_start3A_102 = arith.constant 0 : i32
      %dma_start3A_103 = tpu.memref_slice %arg14[%add3A_49, %dma_start3A_102] : memref<10240x64xf32, #tpu.memory_space<vmem_shared>> -> memref<128x64xf32, #tpu.memory_space<vmem_shared>>
      %dma_start3A_104 = arith.constant 0 : i32
      %dma_start3A_105 = tpu.memref_slice %arg14[%add3A_49, %dma_start3A_104] : memref<10240x64xf32, #tpu.memory_space<vmem_shared>> -> memref<128x64xf32, #tpu.memory_space<vmem_shared>>
      tpu.enqueue_dma source(%arg11 : memref<128x64xf32, #tpu.memory_space<vmem>>) target(%dma_start3A_105 : memref<128x64xf32, #tpu.memory_space<vmem_shared>>) target_semaphore(%run_scoped3A : memref<!tpu.dma_semaphore, #tpu.memory_space<semaphore_mem>>)
      %dma_wait3A_106 = arith.constant 0 : i32
      %dma_wait3A_107 = tpu.memref_slice %arg14[%add3A_49, %dma_wait3A_106] : memref<10240x64xf32, #tpu.memory_space<vmem_shared>> -> memref<128x64xf32, #tpu.memory_space<vmem_shared>>
      %dma_wait3A_108 = arith.constant 0 : i32
      %dma_wait3A_109 = tpu.memref_slice %arg14[%add3A_49, %dma_wait3A_108] : memref<10240x64xf32, #tpu.memory_space<vmem_shared>> -> memref<128x64xf32, #tpu.memory_space<vmem_shared>>
      tpu.wait_dma2 semaphore(%run_scoped3A : memref<!tpu.dma_semaphore, #tpu.memory_space<semaphore_mem>>) src(%arg11 : memref<128x64xf32, #tpu.memory_space<vmem>>) dst(%dma_wait3A_109 : memref<128x64xf32, #tpu.memory_space<vmem_shared>>)
      tpu.yield
    }) : () -> ()
    %add3A_50 = arith.constant 128 : i32
    %add3A_51 = arith.addi %mul3A_0, %add3A_50 : i32
    "tpu.region"() ({
      %run_scoped3A = tpu.sem_alloc : memref<!tpu.dma_semaphore, #tpu.memory_space<semaphore_mem>>
      %dma_start3A_102 = arith.constant 0 : i32
      %dma_start3A_103 = tpu.memref_slice %arg14[%add3A_51, %dma_start3A_102] : memref<10240x64xf32, #tpu.memory_space<vmem_shared>> -> memref<128x64xf32, #tpu.memory_space<vmem_shared>>
      %dma_start3A_104 = arith.constant 0 : i32
      %dma_start3A_105 = tpu.memref_slice %arg14[%add3A_51, %dma_start3A_104] : memref<10240x64xf32, #tpu.memory_space<vmem_shared>> -> memref<128x64xf32, #tpu.memory_space<vmem_shared>>
      tpu.enqueue_dma source(%arg11 : memref<128x64xf32, #tpu.memory_space<vmem>>) target(%dma_start3A_105 : memref<128x64xf32, #tpu.memory_space<vmem_shared>>) target_semaphore(%run_scoped3A : memref<!tpu.dma_semaphore, #tpu.memory_space<semaphore_mem>>)
      %dma_wait3A_106 = arith.constant 0 : i32
      %dma_wait3A_107 = tpu.memref_slice %arg14[%add3A_51, %dma_wait3A_106] : memref<10240x64xf32, #tpu.memory_space<vmem_shared>> -> memref<128x64xf32, #tpu.memory_space<vmem_shared>>
      %dma_wait3A_108 = arith.constant 0 : i32
      %dma_wait3A_109 = tpu.memref_slice %arg14[%add3A_51, %dma_wait3A_108] : memref<10240x64xf32, #tpu.memory_space<vmem_shared>> -> memref<128x64xf32, #tpu.memory_space<vmem_shared>>
      tpu.wait_dma2 semaphore(%run_scoped3A : memref<!tpu.dma_semaphore, #tpu.memory_space<semaphore_mem>>) src(%arg11 : memref<128x64xf32, #tpu.memory_space<vmem>>) dst(%dma_wait3A_109 : memref<128x64xf32, #tpu.memory_space<vmem_shared>>)
      tpu.yield
    }) : () -> ()
    %add3A_52 = arith.constant 256 : i32
    %add3A_53 = arith.addi %mul3A_0, %add3A_52 : i32
    "tpu.region"() ({
      %run_scoped3A = tpu.sem_alloc : memref<!tpu.dma_semaphore, #tpu.memory_space<semaphore_mem>>
      %dma_start3A_102 = arith.constant 0 : i32
      %dma_start3A_103 = tpu.memref_slice %arg14[%add3A_53, %dma_start3A_102] : memref<10240x64xf32, #tpu.memory_space<vmem_shared>> -> memref<128x64xf32, #tpu.memory_space<vmem_shared>>
      %dma_start3A_104 = arith.constant 0 : i32
      %dma_start3A_105 = tpu.memref_slice %arg14[%add3A_53, %dma_start3A_104] : memref<10240x64xf32, #tpu.memory_space<vmem_shared>> -> memref<128x64xf32, #tpu.memory_space<vmem_shared>>
      tpu.enqueue_dma source(%arg11 : memref<128x64xf32, #tpu.memory_space<vmem>>) target(%dma_start3A_105 : memref<128x64xf32, #tpu.memory_space<vmem_shared>>) target_semaphore(%run_scoped3A : memref<!tpu.dma_semaphore, #tpu.memory_space<semaphore_mem>>)
      %dma_wait3A_106 = arith.constant 0 : i32
      %dma_wait3A_107 = tpu.memref_slice %arg14[%add3A_53, %dma_wait3A_106] : memref<10240x64xf32, #tpu.memory_space<vmem_shared>> -> memref<128x64xf32, #tpu.memory_space<vmem_shared>>
      %dma_wait3A_108 = arith.constant 0 : i32
      %dma_wait3A_109 = tpu.memref_slice %arg14[%add3A_53, %dma_wait3A_108] : memref<10240x64xf32, #tpu.memory_space<vmem_shared>> -> memref<128x64xf32, #tpu.memory_space<vmem_shared>>
      tpu.wait_dma2 semaphore(%run_scoped3A : memref<!tpu.dma_semaphore, #tpu.memory_space<semaphore_mem>>) src(%arg11 : memref<128x64xf32, #tpu.memory_space<vmem>>) dst(%dma_wait3A_109 : memref<128x64xf32, #tpu.memory_space<vmem_shared>>)
      tpu.yield
    }) : () -> ()
    %add3A_54 = arith.constant 384 : i32
    %add3A_55 = arith.addi %mul3A_0, %add3A_54 : i32
    "tpu.region"() ({
      %run_scoped3A = tpu.sem_alloc : memref<!tpu.dma_semaphore, #tpu.memory_space<semaphore_mem>>
      %dma_start3A_102 = arith.constant 0 : i32
      %dma_start3A_103 = tpu.memref_slice %arg14[%add3A_55, %dma_start3A_102] : memref<10240x64xf32, #tpu.memory_space<vmem_shared>> -> memref<128x64xf32, #tpu.memory_space<vmem_shared>>
      %dma_start3A_104 = arith.constant 0 : i32
      %dma_start3A_105 = tpu.memref_slice %arg14[%add3A_55, %dma_start3A_104] : memref<10240x64xf32, #tpu.memory_space<vmem_shared>> -> memref<128x64xf32, #tpu.memory_space<vmem_shared>>
      tpu.enqueue_dma source(%arg11 : memref<128x64xf32, #tpu.memory_space<vmem>>) target(%dma_start3A_105 : memref<128x64xf32, #tpu.memory_space<vmem_shared>>) target_semaphore(%run_scoped3A : memref<!tpu.dma_semaphore, #tpu.memory_space<semaphore_mem>>)
      %dma_wait3A_106 = arith.constant 0 : i32
      %dma_wait3A_107 = tpu.memref_slice %arg14[%add3A_55, %dma_wait3A_106] : memref<10240x64xf32, #tpu.memory_space<vmem_shared>> -> memref<128x64xf32, #tpu.memory_space<vmem_shared>>
      %dma_wait3A_108 = arith.constant 0 : i32
      %dma_wait3A_109 = tpu.memref_slice %arg14[%add3A_55, %dma_wait3A_108] : memref<10240x64xf32, #tpu.memory_space<vmem_shared>> -> memref<128x64xf32, #tpu.memory_space<vmem_shared>>
      tpu.wait_dma2 semaphore(%run_scoped3A : memref<!tpu.dma_semaphore, #tpu.memory_space<semaphore_mem>>) src(%arg11 : memref<128x64xf32, #tpu.memory_space<vmem>>) dst(%dma_wait3A_109 : memref<128x64xf32, #tpu.memory_space<vmem_shared>>)
      tpu.yield
    }) : () -> ()
    %add3A_56 = arith.constant 512 : i32
    %add3A_57 = arith.addi %mul3A_0, %add3A_56 : i32
    "tpu.region"() ({
      %run_scoped3A = tpu.sem_alloc : memref<!tpu.dma_semaphore, #tpu.memory_space<semaphore_mem>>
      %dma_start3A_102 = arith.constant 0 : i32
      %dma_start3A_103 = tpu.memref_slice %arg14[%add3A_57, %dma_start3A_102] : memref<10240x64xf32, #tpu.memory_space<vmem_shared>> -> memref<128x64xf32, #tpu.memory_space<vmem_shared>>
      %dma_start3A_104 = arith.constant 0 : i32
      %dma_start3A_105 = tpu.memref_slice %arg14[%add3A_57, %dma_start3A_104] : memref<10240x64xf32, #tpu.memory_space<vmem_shared>> -> memref<128x64xf32, #tpu.memory_space<vmem_shared>>
      tpu.enqueue_dma source(%arg11 : memref<128x64xf32, #tpu.memory_space<vmem>>) target(%dma_start3A_105 : memref<128x64xf32, #tpu.memory_space<vmem_shared>>) target_semaphore(%run_scoped3A : memref<!tpu.dma_semaphore, #tpu.memory_space<semaphore_mem>>)
      %dma_wait3A_106 = arith.constant 0 : i32
      %dma_wait3A_107 = tpu.memref_slice %arg14[%add3A_57, %dma_wait3A_106] : memref<10240x64xf32, #tpu.memory_space<vmem_shared>> -> memref<128x64xf32, #tpu.memory_space<vmem_shared>>
      %dma_wait3A_108 = arith.constant 0 : i32
      %dma_wait3A_109 = tpu.memref_slice %arg14[%add3A_57, %dma_wait3A_108] : memref<10240x64xf32, #tpu.memory_space<vmem_shared>> -> memref<128x64xf32, #tpu.memory_space<vmem_shared>>
      tpu.wait_dma2 semaphore(%run_scoped3A : memref<!tpu.dma_semaphore, #tpu.memory_space<semaphore_mem>>) src(%arg11 : memref<128x64xf32, #tpu.memory_space<vmem>>) dst(%dma_wait3A_109 : memref<128x64xf32, #tpu.memory_space<vmem_shared>>)
      tpu.yield
    }) : () -> ()
    "tpu.region"() ({
      %run_scoped3A = tpu.sem_alloc : memref<!tpu.dma_semaphore, #tpu.memory_space<semaphore_mem>>
      %dma_start3A_102 = tpu.memref_slice %arg15[%mul3A_0] : memref<10240xf32, #tpu.memory_space<vmem_shared>> -> memref<640xf32, #tpu.memory_space<vmem_shared>>
      %dma_start3A_103 = tpu.memref_slice %arg15[%mul3A_0] : memref<10240xf32, #tpu.memory_space<vmem_shared>> -> memref<640xf32, #tpu.memory_space<vmem_shared>>
      tpu.enqueue_dma source(%arg12 : memref<640xf32, #tpu.memory_space<vmem>>) target(%dma_start3A_103 : memref<640xf32, #tpu.memory_space<vmem_shared>>) target_semaphore(%run_scoped3A : memref<!tpu.dma_semaphore, #tpu.memory_space<semaphore_mem>>)
      %dma_wait3A_104 = tpu.memref_slice %arg15[%mul3A_0] : memref<10240xf32, #tpu.memory_space<vmem_shared>> -> memref<640xf32, #tpu.memory_space<vmem_shared>>
      %dma_wait3A_105 = tpu.memref_slice %arg15[%mul3A_0] : memref<10240xf32, #tpu.memory_space<vmem_shared>> -> memref<640xf32, #tpu.memory_space<vmem_shared>>
      tpu.wait_dma2 semaphore(%run_scoped3A : memref<!tpu.dma_semaphore, #tpu.memory_space<semaphore_mem>>) src(%arg12 : memref<640xf32, #tpu.memory_space<vmem>>) dst(%dma_wait3A_105 : memref<640xf32, #tpu.memory_space<vmem_shared>>)
      tpu.yield
    }) : () -> ()
    %barrier3A = arith.constant 0 : index
    tpu.barrier barrier_id(%barrier3A)
    %dma_wait3A = arith.constant 0 : i32
    %dma_wait3A_58 = arith.constant 0 : i32
    %dma_wait3A_59 = arith.constant 0 : i32
    %dma_wait3A_60 = arith.constant 0 : i32
    %dma_wait3A_61 = arith.constant 0 : i32
    %dma_wait3A_62 = tpu.memref_slice %arg8[%dma_wait3A_58, %dma_wait3A_60, %dma_wait3A_61] : memref<2x2x256xi32, #tpu.memory_space<vmem>> -> memref<1x2x256xi32, #tpu.memory_space<vmem>>
    %dma_wait3A_63 = tpu.memref_squeeze %dma_wait3A_62 : memref<1x2x256xi32, #tpu.memory_space<vmem>> -> memref<2x256xi32, #tpu.memory_space<vmem>>
    %dma_wait3A_64 = arith.constant 0 : i32
    %dma_wait3A_65 = arith.constant 0 : i32
    %dma_wait3A_66 = tpu.memref_slice %arg3[%arg1, %dma_wait3A, %dma_wait3A_64, %dma_wait3A_65] : memref<16x80x2x256xi32, #tpu.memory_space<hbm>> -> memref<1x1x2x256xi32, #tpu.memory_space<hbm>>
    %dma_wait3A_67 = tpu.memref_squeeze %dma_wait3A_66 : memref<1x1x2x256xi32, #tpu.memory_space<hbm>> -> memref<2x256xi32, #tpu.memory_space<hbm>>
    %dma_wait3A_68 = tpu.memref_slice %arg17[%dma_wait3A_59] : memref<2x!tpu.dma_semaphore, #tpu.memory_space<semaphore_mem>> -> memref<1x!tpu.dma_semaphore, #tpu.memory_space<semaphore_mem>>
    %dma_wait3A_69 = tpu.memref_squeeze %dma_wait3A_68 : memref<1x!tpu.dma_semaphore, #tpu.memory_space<semaphore_mem>> -> memref<!tpu.dma_semaphore, #tpu.memory_space<semaphore_mem>>
    %dma_wait3A_70 = arith.constant 0 : i32
    %dma_wait3A_71 = arith.constant 0 : i32
    %dma_wait3A_72 = tpu.memref_slice %arg8[%dma_wait3A_58, %dma_wait3A_70, %dma_wait3A_71] : memref<2x2x256xi32, #tpu.memory_space<vmem>> -> memref<1x2x256xi32, #tpu.memory_space<vmem>>
    %dma_wait3A_73 = tpu.memref_squeeze %dma_wait3A_72 : memref<1x2x256xi32, #tpu.memory_space<vmem>> -> memref<2x256xi32, #tpu.memory_space<vmem>>
    %dma_wait3A_74 = arith.constant 0 : i32
    %dma_wait3A_75 = arith.constant 0 : i32
    %dma_wait3A_76 = tpu.memref_slice %arg3[%arg1, %dma_wait3A, %dma_wait3A_74, %dma_wait3A_75] : memref<16x80x2x256xi32, #tpu.memory_space<hbm>> -> memref<1x1x2x256xi32, #tpu.memory_space<hbm>>
    %dma_wait3A_77 = tpu.memref_squeeze %dma_wait3A_76 : memref<1x1x2x256xi32, #tpu.memory_space<hbm>> -> memref<2x256xi32, #tpu.memory_space<hbm>>
    tpu.wait_dma2 semaphore(%dma_wait3A_69 : memref<!tpu.dma_semaphore, #tpu.memory_space<semaphore_mem>>) src(%dma_wait3A_77 : memref<2x256xi32, #tpu.memory_space<hbm>>) dst(%dma_wait3A_73 : memref<2x256xi32, #tpu.memory_space<vmem>>)
    %dma_start3A_78 = arith.constant 0 : i32
    %dma_start3A_79 = arith.constant 0 : i32
    %dma_start3A_80 = arith.constant 0 : i32
    %dma_start3A_81 = arith.constant 0 : i32
    %dma_start3A_82 = arith.constant 0 : i32
    %dma_start3A_83 = arith.constant 0 : i32
    %dma_start3A_84 = tpu.memref_slice %arg9[%dma_start3A_80, %dma_start3A_82, %dma_start3A_83] : memref<2x256x64xf32, #tpu.memory_space<vmem>> -> memref<1x256x64xf32, #tpu.memory_space<vmem>>
    %dma_start3A_85 = tpu.memref_squeeze %dma_start3A_84 : memref<1x256x64xf32, #tpu.memory_space<vmem>> -> memref<256x64xf32, #tpu.memory_space<vmem>>
    %dma_start3A_86 = arith.constant 0 : i32
    %dma_start3A_87 = tpu.memref_slice %arg8[%dma_start3A_78, %dma_start3A_79, %dma_start3A_86] : memref<2x2x256xi32, #tpu.memory_space<vmem>> -> memref<1x1x256xi32, #tpu.memory_space<vmem>>
    %dma_start3A_88 = tpu.memref_squeeze %dma_start3A_87 : memref<1x1x256xi32, #tpu.memory_space<vmem>> -> memref<256xi32, #tpu.memory_space<vmem>>
    %dma_start3A_89 = arith.constant 0 : i32
    %dma_start3A_90 = arith.constant 0 : i32
    %dma_start3A_91 = tpu.memref_slice %arg13[%dma_start3A_89, %dma_start3A_90] : memref<10240x64xf32, #tpu.memory_space<vmem_shared>> -> memref<10240x64xf32, #tpu.memory_space<vmem_shared>>
    %dma_start3A_92 = tpu.memref_slice %arg16[%dma_start3A_81] : memref<2x!tpu.dma_semaphore, #tpu.memory_space<semaphore_mem>> -> memref<1x!tpu.dma_semaphore, #tpu.memory_space<semaphore_mem>>
    %dma_start3A_93 = tpu.memref_squeeze %dma_start3A_92 : memref<1x!tpu.dma_semaphore, #tpu.memory_space<semaphore_mem>> -> memref<!tpu.dma_semaphore, #tpu.memory_space<semaphore_mem>>
    tpu.enqueue_indirect_dma source(%dma_start3A_91 : memref<10240x64xf32, #tpu.memory_space<vmem_shared>>) target(%dma_start3A_85 : memref<256x64xf32, #tpu.memory_space<vmem>>) offsets(%dma_start3A_88 : memref<256xi32, #tpu.memory_space<vmem>>) semaphore(%dma_start3A_93 : memref<!tpu.dma_semaphore, #tpu.memory_space<semaphore_mem>>)
    %scan3A_94 = arith.constant 0 : i32
    %scan3A_95 = arith.constant 40 : i32
    %scan3A_96 = arith.addi %scan3A_94, %scan3A_95 : i32
    %scan3A_97 = arith.constant 1 : i32
    scf.for %scan3A_102 = %scan3A_94 to %scan3A_96 step %scan3A_97  : i32 {
      %mul3A_103 = arith.constant 1 : i32
      %mul3A_104 = arith.muli %scan3A_102, %mul3A_103 : i32
      %add3A_105 = arith.constant 0 : i32
      %add3A_106 = arith.addi %add3A_105, %mul3A_104 : i32
      %mul3A_107 = arith.constant 2 : i32
      %mul3A_108 = arith.muli %add3A_106, %mul3A_107 : i32
      %add3A_109 = arith.constant 0 : i32
      %add3A_110 = arith.addi %mul3A_108, %add3A_109 : i32
      %dma_wait3A_111 = arith.constant 0 : i32
      %dma_wait3A_112 = arith.constant 0 : i32
      %dma_wait3A_113 = arith.constant 0 : i32
      %dma_wait3A_114 = arith.constant 0 : i32
      %dma_wait3A_115 = arith.constant 0 : i32
      %dma_wait3A_116 = arith.constant 0 : i32
      %dma_wait3A_117 = tpu.memref_slice %arg9[%dma_wait3A_113, %dma_wait3A_115, %dma_wait3A_116] : memref<2x256x64xf32, #tpu.memory_space<vmem>> -> memref<1x256x64xf32, #tpu.memory_space<vmem>>
      %dma_wait3A_118 = tpu.memref_squeeze %dma_wait3A_117 : memref<1x256x64xf32, #tpu.memory_space<vmem>> -> memref<256x64xf32, #tpu.memory_space<vmem>>
      %dma_wait3A_119 = arith.constant 0 : i32
      %dma_wait3A_120 = tpu.memref_slice %arg8[%dma_wait3A_111, %dma_wait3A_112, %dma_wait3A_119] : memref<2x2x256xi32, #tpu.memory_space<vmem>> -> memref<1x1x256xi32, #tpu.memory_space<vmem>>
      %dma_wait3A_121 = tpu.memref_squeeze %dma_wait3A_120 : memref<1x1x256xi32, #tpu.memory_space<vmem>> -> memref<256xi32, #tpu.memory_space<vmem>>
      %dma_wait3A_122 = arith.constant 0 : i32
      %dma_wait3A_123 = arith.constant 0 : i32
      %dma_wait3A_124 = tpu.memref_slice %arg13[%dma_wait3A_122, %dma_wait3A_123] : memref<10240x64xf32, #tpu.memory_space<vmem_shared>> -> memref<10240x64xf32, #tpu.memory_space<vmem_shared>>
      %dma_wait3A_125 = tpu.memref_slice %arg16[%dma_wait3A_114] : memref<2x!tpu.dma_semaphore, #tpu.memory_space<semaphore_mem>> -> memref<1x!tpu.dma_semaphore, #tpu.memory_space<semaphore_mem>>
      %dma_wait3A_126 = tpu.memref_squeeze %dma_wait3A_125 : memref<1x!tpu.dma_semaphore, #tpu.memory_space<semaphore_mem>> -> memref<!tpu.dma_semaphore, #tpu.memory_space<semaphore_mem>>
      tpu.wait_indirect_dma semaphore(%dma_wait3A_126 : memref<!tpu.dma_semaphore, #tpu.memory_space<semaphore_mem>>) src(%dma_wait3A_124 : memref<10240x64xf32, #tpu.memory_space<vmem_shared>>) dst(%dma_wait3A_118 : memref<256x64xf32, #tpu.memory_space<vmem>>)
      %add3A_127 = arith.constant 1 : i32
      %add3A_128 = arith.addi %add3A_110, %add3A_127 : i32
      %lt3A = arith.constant 80 : i32
      %lt3A_129 = arith.cmpi slt, %add3A_128, %lt3A : i32
      %convert_element_type3A_130 = arith.extui %lt3A_129 : i1 to i32
      %cond3A_131 = arith.constant 0 : i32
      %cond3A_132 = arith.cmpi ne, %convert_element_type3A_130, %cond3A_131 : i32
      scf.if %cond3A_132 {
        %add3A_189 = arith.constant 1 : i32
        %add3A_190 = arith.addi %add3A_110, %add3A_189 : i32
        %dma_wait3A_191 = arith.constant 1 : i32
        %dma_wait3A_192 = arith.constant 1 : i32
        %dma_wait3A_193 = arith.constant 0 : i32
        %dma_wait3A_194 = arith.constant 0 : i32
        %dma_wait3A_195 = tpu.memref_slice %arg8[%dma_wait3A_191, %dma_wait3A_193, %dma_wait3A_194] : memref<2x2x256xi32, #tpu.memory_space<vmem>> -> memref<1x2x256xi32, #tpu.memory_space<vmem>>
        %dma_wait3A_196 = tpu.memref_squeeze %dma_wait3A_195 : memref<1x2x256xi32, #tpu.memory_space<vmem>> -> memref<2x256xi32, #tpu.memory_space<vmem>>
        %dma_wait3A_197 = arith.constant 0 : i32
        %dma_wait3A_198 = arith.constant 0 : i32
        %dma_wait3A_199 = tpu.memref_slice %arg3[%arg1, %add3A_190, %dma_wait3A_197, %dma_wait3A_198] : memref<16x80x2x256xi32, #tpu.memory_space<hbm>> -> memref<1x1x2x256xi32, #tpu.memory_space<hbm>>
        %dma_wait3A_200 = tpu.memref_squeeze %dma_wait3A_199 : memref<1x1x2x256xi32, #tpu.memory_space<hbm>> -> memref<2x256xi32, #tpu.memory_space<hbm>>
        %dma_wait3A_201 = tpu.memref_slice %arg17[%dma_wait3A_192] : memref<2x!tpu.dma_semaphore, #tpu.memory_space<semaphore_mem>> -> memref<1x!tpu.dma_semaphore, #tpu.memory_space<semaphore_mem>>
        %dma_wait3A_202 = tpu.memref_squeeze %dma_wait3A_201 : memref<1x!tpu.dma_semaphore, #tpu.memory_space<semaphore_mem>> -> memref<!tpu.dma_semaphore, #tpu.memory_space<semaphore_mem>>
        %dma_wait3A_203 = arith.constant 0 : i32
        %dma_wait3A_204 = arith.constant 0 : i32
        %dma_wait3A_205 = tpu.memref_slice %arg8[%dma_wait3A_191, %dma_wait3A_203, %dma_wait3A_204] : memref<2x2x256xi32, #tpu.memory_space<vmem>> -> memref<1x2x256xi32, #tpu.memory_space<vmem>>
        %dma_wait3A_206 = tpu.memref_squeeze %dma_wait3A_205 : memref<1x2x256xi32, #tpu.memory_space<vmem>> -> memref<2x256xi32, #tpu.memory_space<vmem>>
        %dma_wait3A_207 = arith.constant 0 : i32
        %dma_wait3A_208 = arith.constant 0 : i32
        %dma_wait3A_209 = tpu.memref_slice %arg3[%arg1, %add3A_190, %dma_wait3A_207, %dma_wait3A_208] : memref<16x80x2x256xi32, #tpu.memory_space<hbm>> -> memref<1x1x2x256xi32, #tpu.memory_space<hbm>>
        %dma_wait3A_210 = tpu.memref_squeeze %dma_wait3A_209 : memref<1x1x2x256xi32, #tpu.memory_space<hbm>> -> memref<2x256xi32, #tpu.memory_space<hbm>>
        tpu.wait_dma2 semaphore(%dma_wait3A_202 : memref<!tpu.dma_semaphore, #tpu.memory_space<semaphore_mem>>) src(%dma_wait3A_210 : memref<2x256xi32, #tpu.memory_space<hbm>>) dst(%dma_wait3A_206 : memref<2x256xi32, #tpu.memory_space<vmem>>)
        %dma_start3A_211 = arith.constant 1 : i32
        %dma_start3A_212 = arith.constant 0 : i32
        %dma_start3A_213 = arith.constant 1 : i32
        %dma_start3A_214 = arith.constant 1 : i32
        %dma_start3A_215 = arith.constant 0 : i32
        %dma_start3A_216 = arith.constant 0 : i32
        %dma_start3A_217 = tpu.memref_slice %arg9[%dma_start3A_213, %dma_start3A_215, %dma_start3A_216] : memref<2x256x64xf32, #tpu.memory_space<vmem>> -> memref<1x256x64xf32, #tpu.memory_space<vmem>>
        %dma_start3A_218 = tpu.memref_squeeze %dma_start3A_217 : memref<1x256x64xf32, #tpu.memory_space<vmem>> -> memref<256x64xf32, #tpu.memory_space<vmem>>
        %dma_start3A_219 = arith.constant 0 : i32
        %dma_start3A_220 = tpu.memref_slice %arg8[%dma_start3A_211, %dma_start3A_212, %dma_start3A_219] : memref<2x2x256xi32, #tpu.memory_space<vmem>> -> memref<1x1x256xi32, #tpu.memory_space<vmem>>
        %dma_start3A_221 = tpu.memref_squeeze %dma_start3A_220 : memref<1x1x256xi32, #tpu.memory_space<vmem>> -> memref<256xi32, #tpu.memory_space<vmem>>
        %dma_start3A_222 = arith.constant 0 : i32
        %dma_start3A_223 = arith.constant 0 : i32
        %dma_start3A_224 = tpu.memref_slice %arg13[%dma_start3A_222, %dma_start3A_223] : memref<10240x64xf32, #tpu.memory_space<vmem_shared>> -> memref<10240x64xf32, #tpu.memory_space<vmem_shared>>
        %dma_start3A_225 = tpu.memref_slice %arg16[%dma_start3A_214] : memref<2x!tpu.dma_semaphore, #tpu.memory_space<semaphore_mem>> -> memref<1x!tpu.dma_semaphore, #tpu.memory_space<semaphore_mem>>
        %dma_start3A_226 = tpu.memref_squeeze %dma_start3A_225 : memref<1x!tpu.dma_semaphore, #tpu.memory_space<semaphore_mem>> -> memref<!tpu.dma_semaphore, #tpu.memory_space<semaphore_mem>>
        tpu.enqueue_indirect_dma source(%dma_start3A_224 : memref<10240x64xf32, #tpu.memory_space<vmem_shared>>) target(%dma_start3A_218 : memref<256x64xf32, #tpu.memory_space<vmem>>) offsets(%dma_start3A_221 : memref<256xi32, #tpu.memory_space<vmem>>) semaphore(%dma_start3A_226 : memref<!tpu.dma_semaphore, #tpu.memory_space<semaphore_mem>>)
      } else {
      }
      %run_scoped3A = arith.constant 0 : i32
      %run_scoped3A_133 = arith.constant 0 : i32
      %run_scoped3A_134 = arith.constant 1 : i32
      "tpu.region"() ({
        %run_scoped3A_189 = tpu.sem_alloc : memref<!tpu.dma_semaphore, #tpu.memory_space<semaphore_mem>>
        %dma_start3A_190 = arith.constant 0 : i32
        %dma_start3A_191 = arith.constant 0 : i32
        %dma_start3A_192 = tpu.memref_slice %arg9[%run_scoped3A, %dma_start3A_190, %dma_start3A_191] : memref<2x256x64xf32, #tpu.memory_space<vmem>> -> memref<1x256x64xf32, #tpu.memory_space<vmem>>
        %dma_start3A_193 = tpu.memref_squeeze %dma_start3A_192 : memref<1x256x64xf32, #tpu.memory_space<vmem>> -> memref<256x64xf32, #tpu.memory_space<vmem>>
        %dma_start3A_194 = arith.constant 0 : i32
        %dma_start3A_195 = tpu.memref_slice %arg8[%run_scoped3A_133, %run_scoped3A_134, %dma_start3A_194] : memref<2x2x256xi32, #tpu.memory_space<vmem>> -> memref<1x1x256xi32, #tpu.memory_space<vmem>>
        %dma_start3A_196 = tpu.memref_squeeze %dma_start3A_195 : memref<1x1x256xi32, #tpu.memory_space<vmem>> -> memref<256xi32, #tpu.memory_space<vmem>>
        %dma_start3A_197 = arith.constant 0 : i32
        %dma_start3A_198 = arith.constant 0 : i32
        %dma_start3A_199 = tpu.memref_slice %arg14[%dma_start3A_197, %dma_start3A_198] : memref<10240x64xf32, #tpu.memory_space<vmem_shared>> -> memref<10240x64xf32, #tpu.memory_space<vmem_shared>>
        tpu.enqueue_indirect_dma source(%dma_start3A_193 : memref<256x64xf32, #tpu.memory_space<vmem>>) target(%dma_start3A_199 : memref<10240x64xf32, #tpu.memory_space<vmem_shared>>) offsets(%dma_start3A_196 : memref<256xi32, #tpu.memory_space<vmem>>) semaphore(%run_scoped3A_189 : memref<!tpu.dma_semaphore, #tpu.memory_space<semaphore_mem>>) {add = true}
        %dma_wait3A_200 = arith.constant 0 : i32
        %dma_wait3A_201 = arith.constant 0 : i32
        %dma_wait3A_202 = tpu.memref_slice %arg9[%run_scoped3A, %dma_wait3A_200, %dma_wait3A_201] : memref<2x256x64xf32, #tpu.memory_space<vmem>> -> memref<1x256x64xf32, #tpu.memory_space<vmem>>
        %dma_wait3A_203 = tpu.memref_squeeze %dma_wait3A_202 : memref<1x256x64xf32, #tpu.memory_space<vmem>> -> memref<256x64xf32, #tpu.memory_space<vmem>>
        %dma_wait3A_204 = arith.constant 0 : i32
        %dma_wait3A_205 = tpu.memref_slice %arg8[%run_scoped3A_133, %run_scoped3A_134, %dma_wait3A_204] : memref<2x2x256xi32, #tpu.memory_space<vmem>> -> memref<1x1x256xi32, #tpu.memory_space<vmem>>
        %dma_wait3A_206 = tpu.memref_squeeze %dma_wait3A_205 : memref<1x1x256xi32, #tpu.memory_space<vmem>> -> memref<256xi32, #tpu.memory_space<vmem>>
        %dma_wait3A_207 = arith.constant 0 : i32
        %dma_wait3A_208 = arith.constant 0 : i32
        %dma_wait3A_209 = tpu.memref_slice %arg14[%dma_wait3A_207, %dma_wait3A_208] : memref<10240x64xf32, #tpu.memory_space<vmem_shared>> -> memref<10240x64xf32, #tpu.memory_space<vmem_shared>>
        tpu.wait_indirect_dma semaphore(%run_scoped3A_189 : memref<!tpu.dma_semaphore, #tpu.memory_space<semaphore_mem>>) src(%dma_wait3A_203 : memref<256x64xf32, #tpu.memory_space<vmem>>) dst(%dma_wait3A_209 : memref<10240x64xf32, #tpu.memory_space<vmem_shared>>)
        tpu.yield
      }) : () -> ()
      %eq3A_135 = arith.constant 0 : i32
      %eq3A_136 = arith.cmpi eq, %arg0, %eq3A_135 : i32
      %convert_element_type3A_137 = arith.extui %eq3A_136 : i1 to i32
      %cond3A_138 = arith.constant 0 : i32
      %cond3A_139 = arith.cmpi ne, %convert_element_type3A_137, %cond3A_138 : i32
      scf.if %cond3A_139 {
        %run_scoped3A_189 = arith.constant 0 : i32
        %run_scoped3A_190 = arith.constant 1 : i32
        "tpu.region"() ({
          %run_scoped3A_191 = tpu.sem_alloc : memref<!tpu.dma_semaphore, #tpu.memory_space<semaphore_mem>>
          %dma_start3A_192 = arith.constant 0 : i32
          %dma_start3A_193 = tpu.memref_slice %arg8[%run_scoped3A_189, %run_scoped3A_190, %dma_start3A_192] : memref<2x2x256xi32, #tpu.memory_space<vmem>> -> memref<1x1x256xi32, #tpu.memory_space<vmem>>
          %dma_start3A_194 = tpu.memref_squeeze %dma_start3A_193 : memref<1x1x256xi32, #tpu.memory_space<vmem>> -> memref<256xi32, #tpu.memory_space<vmem>>
          %dma_start3A_195 = arith.constant 0 : i32
          %dma_start3A_196 = tpu.memref_slice %arg15[%dma_start3A_195] : memref<10240xf32, #tpu.memory_space<vmem_shared>> -> memref<10240xf32, #tpu.memory_space<vmem_shared>>
          tpu.enqueue_indirect_dma source(%arg10 : memref<256xf32, #tpu.memory_space<vmem>>) target(%dma_start3A_196 : memref<10240xf32, #tpu.memory_space<vmem_shared>>) offsets(%dma_start3A_194 : memref<256xi32, #tpu.memory_space<vmem>>) semaphore(%run_scoped3A_191 : memref<!tpu.dma_semaphore, #tpu.memory_space<semaphore_mem>>) {add = true}
          %dma_wait3A_197 = arith.constant 0 : i32
          %dma_wait3A_198 = tpu.memref_slice %arg8[%run_scoped3A_189, %run_scoped3A_190, %dma_wait3A_197] : memref<2x2x256xi32, #tpu.memory_space<vmem>> -> memref<1x1x256xi32, #tpu.memory_space<vmem>>
          %dma_wait3A_199 = tpu.memref_squeeze %dma_wait3A_198 : memref<1x1x256xi32, #tpu.memory_space<vmem>> -> memref<256xi32, #tpu.memory_space<vmem>>
          %dma_wait3A_200 = arith.constant 0 : i32
          %dma_wait3A_201 = tpu.memref_slice %arg15[%dma_wait3A_200] : memref<10240xf32, #tpu.memory_space<vmem_shared>> -> memref<10240xf32, #tpu.memory_space<vmem_shared>>
          tpu.wait_indirect_dma semaphore(%run_scoped3A_191 : memref<!tpu.dma_semaphore, #tpu.memory_space<semaphore_mem>>) src(%arg10 : memref<256xf32, #tpu.memory_space<vmem>>) dst(%dma_wait3A_201 : memref<10240xf32, #tpu.memory_space<vmem_shared>>)
          tpu.yield
        }) : () -> ()
      } else {
      }
      %add3A_140 = arith.constant 2 : i32
      %add3A_141 = arith.addi %add3A_110, %add3A_140 : i32
      %lt3A_142 = arith.constant 80 : i32
      %lt3A_143 = arith.cmpi slt, %add3A_141, %lt3A_142 : i32
      %convert_element_type3A_144 = arith.extui %lt3A_143 : i1 to i32
      %cond3A_145 = arith.constant 0 : i32
      %cond3A_146 = arith.cmpi ne, %convert_element_type3A_144, %cond3A_145 : i32
      scf.if %cond3A_146 {
        %add3A_189 = arith.constant 2 : i32
        %add3A_190 = arith.addi %add3A_110, %add3A_189 : i32
        %dma_start3A_191 = arith.constant 0 : i32
        %dma_start3A_192 = arith.constant 0 : i32
        %dma_start3A_193 = arith.constant 0 : i32
        %dma_start3A_194 = arith.constant 0 : i32
        %dma_start3A_195 = tpu.memref_slice %arg8[%dma_start3A_191, %dma_start3A_193, %dma_start3A_194] : memref<2x2x256xi32, #tpu.memory_space<vmem>> -> memref<1x2x256xi32, #tpu.memory_space<vmem>>
        %dma_start3A_196 = tpu.memref_squeeze %dma_start3A_195 : memref<1x2x256xi32, #tpu.memory_space<vmem>> -> memref<2x256xi32, #tpu.memory_space<vmem>>
        %dma_start3A_197 = arith.constant 0 : i32
        %dma_start3A_198 = arith.constant 0 : i32
        %dma_start3A_199 = tpu.memref_slice %arg3[%arg1, %add3A_190, %dma_start3A_197, %dma_start3A_198] : memref<16x80x2x256xi32, #tpu.memory_space<hbm>> -> memref<1x1x2x256xi32, #tpu.memory_space<hbm>>
        %dma_start3A_200 = tpu.memref_squeeze %dma_start3A_199 : memref<1x1x2x256xi32, #tpu.memory_space<hbm>> -> memref<2x256xi32, #tpu.memory_space<hbm>>
        %dma_start3A_201 = tpu.memref_slice %arg17[%dma_start3A_192] : memref<2x!tpu.dma_semaphore, #tpu.memory_space<semaphore_mem>> -> memref<1x!tpu.dma_semaphore, #tpu.memory_space<semaphore_mem>>
        %dma_start3A_202 = tpu.memref_squeeze %dma_start3A_201 : memref<1x!tpu.dma_semaphore, #tpu.memory_space<semaphore_mem>> -> memref<!tpu.dma_semaphore, #tpu.memory_space<semaphore_mem>>
        %dma_start3A_203 = arith.constant 0 : i32
        %dma_start3A_204 = arith.constant 0 : i32
        %dma_start3A_205 = tpu.memref_slice %arg8[%dma_start3A_191, %dma_start3A_203, %dma_start3A_204] : memref<2x2x256xi32, #tpu.memory_space<vmem>> -> memref<1x2x256xi32, #tpu.memory_space<vmem>>
        %dma_start3A_206 = tpu.memref_squeeze %dma_start3A_205 : memref<1x2x256xi32, #tpu.memory_space<vmem>> -> memref<2x256xi32, #tpu.memory_space<vmem>>
        %dma_start3A_207 = arith.constant 0 : i32
        %dma_start3A_208 = arith.constant 0 : i32
        %dma_start3A_209 = tpu.memref_slice %arg3[%arg1, %add3A_190, %dma_start3A_207, %dma_start3A_208] : memref<16x80x2x256xi32, #tpu.memory_space<hbm>> -> memref<1x1x2x256xi32, #tpu.memory_space<hbm>>
        %dma_start3A_210 = tpu.memref_squeeze %dma_start3A_209 : memref<1x1x2x256xi32, #tpu.memory_space<hbm>> -> memref<2x256xi32, #tpu.memory_space<hbm>>
        tpu.enqueue_dma source(%dma_start3A_210 : memref<2x256xi32, #tpu.memory_space<hbm>>) target(%dma_start3A_206 : memref<2x256xi32, #tpu.memory_space<vmem>>) target_semaphore(%dma_start3A_202 : memref<!tpu.dma_semaphore, #tpu.memory_space<semaphore_mem>>)
      } else {
      }
      %mul3A_147 = arith.constant 2 : i32
      %mul3A_148 = arith.muli %add3A_106, %mul3A_147 : i32
      %add3A_149 = arith.constant 1 : i32
      %add3A_150 = arith.addi %mul3A_148, %add3A_149 : i32
      %dma_wait3A_151 = arith.constant 1 : i32
      %dma_wait3A_152 = arith.constant 0 : i32
      %dma_wait3A_153 = arith.constant 1 : i32
      %dma_wait3A_154 = arith.constant 1 : i32
      %dma_wait3A_155 = arith.constant 0 : i32
      %dma_wait3A_156 = arith.constant 0 : i32
      %dma_wait3A_157 = tpu.memref_slice %arg9[%dma_wait3A_153, %dma_wait3A_155, %dma_wait3A_156] : memref<2x256x64xf32, #tpu.memory_space<vmem>> -> memref<1x256x64xf32, #tpu.memory_space<vmem>>
      %dma_wait3A_158 = tpu.memref_squeeze %dma_wait3A_157 : memref<1x256x64xf32, #tpu.memory_space<vmem>> -> memref<256x64xf32, #tpu.memory_space<vmem>>
      %dma_wait3A_159 = arith.constant 0 : i32
      %dma_wait3A_160 = tpu.memref_slice %arg8[%dma_wait3A_151, %dma_wait3A_152, %dma_wait3A_159] : memref<2x2x256xi32, #tpu.memory_space<vmem>> -> memref<1x1x256xi32, #tpu.memory_space<vmem>>
      %dma_wait3A_161 = tpu.memref_squeeze %dma_wait3A_160 : memref<1x1x256xi32, #tpu.memory_space<vmem>> -> memref<256xi32, #tpu.memory_space<vmem>>
      %dma_wait3A_162 = arith.constant 0 : i32
      %dma_wait3A_163 = arith.constant 0 : i32
      %dma_wait3A_164 = tpu.memref_slice %arg13[%dma_wait3A_162, %dma_wait3A_163] : memref<10240x64xf32, #tpu.memory_space<vmem_shared>> -> memref<10240x64xf32, #tpu.memory_space<vmem_shared>>
      %dma_wait3A_165 = tpu.memref_slice %arg16[%dma_wait3A_154] : memref<2x!tpu.dma_semaphore, #tpu.memory_space<semaphore_mem>> -> memref<1x!tpu.dma_semaphore, #tpu.memory_space<semaphore_mem>>
      %dma_wait3A_166 = tpu.memref_squeeze %dma_wait3A_165 : memref<1x!tpu.dma_semaphore, #tpu.memory_space<semaphore_mem>> -> memref<!tpu.dma_semaphore, #tpu.memory_space<semaphore_mem>>
      tpu.wait_indirect_dma semaphore(%dma_wait3A_166 : memref<!tpu.dma_semaphore, #tpu.memory_space<semaphore_mem>>) src(%dma_wait3A_164 : memref<10240x64xf32, #tpu.memory_space<vmem_shared>>) dst(%dma_wait3A_158 : memref<256x64xf32, #tpu.memory_space<vmem>>)
      %add3A_167 = arith.constant 1 : i32
      %add3A_168 = arith.addi %add3A_150, %add3A_167 : i32
      %lt3A_169 = arith.constant 80 : i32
      %lt3A_170 = arith.cmpi slt, %add3A_168, %lt3A_169 : i32
      %convert_element_type3A_171 = arith.extui %lt3A_170 : i1 to i32
      %cond3A_172 = arith.constant 0 : i32
      %cond3A_173 = arith.cmpi ne, %convert_element_type3A_171, %cond3A_172 : i32
      scf.if %cond3A_173 {
        %add3A_189 = arith.constant 1 : i32
        %add3A_190 = arith.addi %add3A_150, %add3A_189 : i32
        %dma_wait3A_191 = arith.constant 0 : i32
        %dma_wait3A_192 = arith.constant 0 : i32
        %dma_wait3A_193 = arith.constant 0 : i32
        %dma_wait3A_194 = arith.constant 0 : i32
        %dma_wait3A_195 = tpu.memref_slice %arg8[%dma_wait3A_191, %dma_wait3A_193, %dma_wait3A_194] : memref<2x2x256xi32, #tpu.memory_space<vmem>> -> memref<1x2x256xi32, #tpu.memory_space<vmem>>
        %dma_wait3A_196 = tpu.memref_squeeze %dma_wait3A_195 : memref<1x2x256xi32, #tpu.memory_space<vmem>> -> memref<2x256xi32, #tpu.memory_space<vmem>>
        %dma_wait3A_197 = arith.constant 0 : i32
        %dma_wait3A_198 = arith.constant 0 : i32
        %dma_wait3A_199 = tpu.memref_slice %arg3[%arg1, %add3A_190, %dma_wait3A_197, %dma_wait3A_198] : memref<16x80x2x256xi32, #tpu.memory_space<hbm>> -> memref<1x1x2x256xi32, #tpu.memory_space<hbm>>
        %dma_wait3A_200 = tpu.memref_squeeze %dma_wait3A_199 : memref<1x1x2x256xi32, #tpu.memory_space<hbm>> -> memref<2x256xi32, #tpu.memory_space<hbm>>
        %dma_wait3A_201 = tpu.memref_slice %arg17[%dma_wait3A_192] : memref<2x!tpu.dma_semaphore, #tpu.memory_space<semaphore_mem>> -> memref<1x!tpu.dma_semaphore, #tpu.memory_space<semaphore_mem>>
        %dma_wait3A_202 = tpu.memref_squeeze %dma_wait3A_201 : memref<1x!tpu.dma_semaphore, #tpu.memory_space<semaphore_mem>> -> memref<!tpu.dma_semaphore, #tpu.memory_space<semaphore_mem>>
        %dma_wait3A_203 = arith.constant 0 : i32
        %dma_wait3A_204 = arith.constant 0 : i32
        %dma_wait3A_205 = tpu.memref_slice %arg8[%dma_wait3A_191, %dma_wait3A_203, %dma_wait3A_204] : memref<2x2x256xi32, #tpu.memory_space<vmem>> -> memref<1x2x256xi32, #tpu.memory_space<vmem>>
        %dma_wait3A_206 = tpu.memref_squeeze %dma_wait3A_205 : memref<1x2x256xi32, #tpu.memory_space<vmem>> -> memref<2x256xi32, #tpu.memory_space<vmem>>
        %dma_wait3A_207 = arith.constant 0 : i32
        %dma_wait3A_208 = arith.constant 0 : i32
        %dma_wait3A_209 = tpu.memref_slice %arg3[%arg1, %add3A_190, %dma_wait3A_207, %dma_wait3A_208] : memref<16x80x2x256xi32, #tpu.memory_space<hbm>> -> memref<1x1x2x256xi32, #tpu.memory_space<hbm>>
        %dma_wait3A_210 = tpu.memref_squeeze %dma_wait3A_209 : memref<1x1x2x256xi32, #tpu.memory_space<hbm>> -> memref<2x256xi32, #tpu.memory_space<hbm>>
        tpu.wait_dma2 semaphore(%dma_wait3A_202 : memref<!tpu.dma_semaphore, #tpu.memory_space<semaphore_mem>>) src(%dma_wait3A_210 : memref<2x256xi32, #tpu.memory_space<hbm>>) dst(%dma_wait3A_206 : memref<2x256xi32, #tpu.memory_space<vmem>>)
        %dma_start3A_211 = arith.constant 0 : i32
        %dma_start3A_212 = arith.constant 0 : i32
        %dma_start3A_213 = arith.constant 0 : i32
        %dma_start3A_214 = arith.constant 0 : i32
        %dma_start3A_215 = arith.constant 0 : i32
        %dma_start3A_216 = arith.constant 0 : i32
        %dma_start3A_217 = tpu.memref_slice %arg9[%dma_start3A_213, %dma_start3A_215, %dma_start3A_216] : memref<2x256x64xf32, #tpu.memory_space<vmem>> -> memref<1x256x64xf32, #tpu.memory_space<vmem>>
        %dma_start3A_218 = tpu.memref_squeeze %dma_start3A_217 : memref<1x256x64xf32, #tpu.memory_space<vmem>> -> memref<256x64xf32, #tpu.memory_space<vmem>>
        %dma_start3A_219 = arith.constant 0 : i32
        %dma_start3A_220 = tpu.memref_slice %arg8[%dma_start3A_211, %dma_start3A_212, %dma_start3A_219] : memref<2x2x256xi32, #tpu.memory_space<vmem>> -> memref<1x1x256xi32, #tpu.memory_space<vmem>>
        %dma_start3A_221 = tpu.memref_squeeze %dma_start3A_220 : memref<1x1x256xi32, #tpu.memory_space<vmem>> -> memref<256xi32, #tpu.memory_space<vmem>>
        %dma_start3A_222 = arith.constant 0 : i32
        %dma_start3A_223 = arith.constant 0 : i32
        %dma_start3A_224 = tpu.memref_slice %arg13[%dma_start3A_222, %dma_start3A_223] : memref<10240x64xf32, #tpu.memory_space<vmem_shared>> -> memref<10240x64xf32, #tpu.memory_space<vmem_shared>>
        %dma_start3A_225 = tpu.memref_slice %arg16[%dma_start3A_214] : memref<2x!tpu.dma_semaphore, #tpu.memory_space<semaphore_mem>> -> memref<1x!tpu.dma_semaphore, #tpu.memory_space<semaphore_mem>>
        %dma_start3A_226 = tpu.memref_squeeze %dma_start3A_225 : memref<1x!tpu.dma_semaphore, #tpu.memory_space<semaphore_mem>> -> memref<!tpu.dma_semaphore, #tpu.memory_space<semaphore_mem>>
        tpu.enqueue_indirect_dma source(%dma_start3A_224 : memref<10240x64xf32, #tpu.memory_space<vmem_shared>>) target(%dma_start3A_218 : memref<256x64xf32, #tpu.memory_space<vmem>>) offsets(%dma_start3A_221 : memref<256xi32, #tpu.memory_space<vmem>>) semaphore(%dma_start3A_226 : memref<!tpu.dma_semaphore, #tpu.memory_space<semaphore_mem>>)
      } else {
      }
      %run_scoped3A_174 = arith.constant 1 : i32
      %run_scoped3A_175 = arith.constant 1 : i32
      %run_scoped3A_176 = arith.constant 1 : i32
      "tpu.region"() ({
        %run_scoped3A_189 = tpu.sem_alloc : memref<!tpu.dma_semaphore, #tpu.memory_space<semaphore_mem>>
        %dma_start3A_190 = arith.constant 0 : i32
        %dma_start3A_191 = arith.constant 0 : i32
        %dma_start3A_192 = tpu.memref_slice %arg9[%run_scoped3A_174, %dma_start3A_190, %dma_start3A_191] : memref<2x256x64xf32, #tpu.memory_space<vmem>> -> memref<1x256x64xf32, #tpu.memory_space<vmem>>
        %dma_start3A_193 = tpu.memref_squeeze %dma_start3A_192 : memref<1x256x64xf32, #tpu.memory_space<vmem>> -> memref<256x64xf32, #tpu.memory_space<vmem>>
        %dma_start3A_194 = arith.constant 0 : i32
        %dma_start3A_195 = tpu.memref_slice %arg8[%run_scoped3A_175, %run_scoped3A_176, %dma_start3A_194] : memref<2x2x256xi32, #tpu.memory_space<vmem>> -> memref<1x1x256xi32, #tpu.memory_space<vmem>>
        %dma_start3A_196 = tpu.memref_squeeze %dma_start3A_195 : memref<1x1x256xi32, #tpu.memory_space<vmem>> -> memref<256xi32, #tpu.memory_space<vmem>>
        %dma_start3A_197 = arith.constant 0 : i32
        %dma_start3A_198 = arith.constant 0 : i32
        %dma_start3A_199 = tpu.memref_slice %arg14[%dma_start3A_197, %dma_start3A_198] : memref<10240x64xf32, #tpu.memory_space<vmem_shared>> -> memref<10240x64xf32, #tpu.memory_space<vmem_shared>>
        tpu.enqueue_indirect_dma source(%dma_start3A_193 : memref<256x64xf32, #tpu.memory_space<vmem>>) target(%dma_start3A_199 : memref<10240x64xf32, #tpu.memory_space<vmem_shared>>) offsets(%dma_start3A_196 : memref<256xi32, #tpu.memory_space<vmem>>) semaphore(%run_scoped3A_189 : memref<!tpu.dma_semaphore, #tpu.memory_space<semaphore_mem>>) {add = true}
        %dma_wait3A_200 = arith.constant 0 : i32
        %dma_wait3A_201 = arith.constant 0 : i32
        %dma_wait3A_202 = tpu.memref_slice %arg9[%run_scoped3A_174, %dma_wait3A_200, %dma_wait3A_201] : memref<2x256x64xf32, #tpu.memory_space<vmem>> -> memref<1x256x64xf32, #tpu.memory_space<vmem>>
        %dma_wait3A_203 = tpu.memref_squeeze %dma_wait3A_202 : memref<1x256x64xf32, #tpu.memory_space<vmem>> -> memref<256x64xf32, #tpu.memory_space<vmem>>
        %dma_wait3A_204 = arith.constant 0 : i32
        %dma_wait3A_205 = tpu.memref_slice %arg8[%run_scoped3A_175, %run_scoped3A_176, %dma_wait3A_204] : memref<2x2x256xi32, #tpu.memory_space<vmem>> -> memref<1x1x256xi32, #tpu.memory_space<vmem>>
        %dma_wait3A_206 = tpu.memref_squeeze %dma_wait3A_205 : memref<1x1x256xi32, #tpu.memory_space<vmem>> -> memref<256xi32, #tpu.memory_space<vmem>>
        %dma_wait3A_207 = arith.constant 0 : i32
        %dma_wait3A_208 = arith.constant 0 : i32
        %dma_wait3A_209 = tpu.memref_slice %arg14[%dma_wait3A_207, %dma_wait3A_208] : memref<10240x64xf32, #tpu.memory_space<vmem_shared>> -> memref<10240x64xf32, #tpu.memory_space<vmem_shared>>
        tpu.wait_indirect_dma semaphore(%run_scoped3A_189 : memref<!tpu.dma_semaphore, #tpu.memory_space<semaphore_mem>>) src(%dma_wait3A_203 : memref<256x64xf32, #tpu.memory_space<vmem>>) dst(%dma_wait3A_209 : memref<10240x64xf32, #tpu.memory_space<vmem_shared>>)
        tpu.yield
      }) : () -> ()
      %eq3A_177 = arith.constant 0 : i32
      %eq3A_178 = arith.cmpi eq, %arg0, %eq3A_177 : i32
      %convert_element_type3A_179 = arith.extui %eq3A_178 : i1 to i32
      %cond3A_180 = arith.constant 0 : i32
      %cond3A_181 = arith.cmpi ne, %convert_element_type3A_179, %cond3A_180 : i32
      scf.if %cond3A_181 {
        %run_scoped3A_189 = arith.constant 1 : i32
        %run_scoped3A_190 = arith.constant 1 : i32
        "tpu.region"() ({
          %run_scoped3A_191 = tpu.sem_alloc : memref<!tpu.dma_semaphore, #tpu.memory_space<semaphore_mem>>
          %dma_start3A_192 = arith.constant 0 : i32
          %dma_start3A_193 = tpu.memref_slice %arg8[%run_scoped3A_189, %run_scoped3A_190, %dma_start3A_192] : memref<2x2x256xi32, #tpu.memory_space<vmem>> -> memref<1x1x256xi32, #tpu.memory_space<vmem>>
          %dma_start3A_194 = tpu.memref_squeeze %dma_start3A_193 : memref<1x1x256xi32, #tpu.memory_space<vmem>> -> memref<256xi32, #tpu.memory_space<vmem>>
          %dma_start3A_195 = arith.constant 0 : i32
          %dma_start3A_196 = tpu.memref_slice %arg15[%dma_start3A_195] : memref<10240xf32, #tpu.memory_space<vmem_shared>> -> memref<10240xf32, #tpu.memory_space<vmem_shared>>
          tpu.enqueue_indirect_dma source(%arg10 : memref<256xf32, #tpu.memory_space<vmem>>) target(%dma_start3A_196 : memref<10240xf32, #tpu.memory_space<vmem_shared>>) offsets(%dma_start3A_194 : memref<256xi32, #tpu.memory_space<vmem>>) semaphore(%run_scoped3A_191 : memref<!tpu.dma_semaphore, #tpu.memory_space<semaphore_mem>>) {add = true}
          %dma_wait3A_197 = arith.constant 0 : i32
          %dma_wait3A_198 = tpu.memref_slice %arg8[%run_scoped3A_189, %run_scoped3A_190, %dma_wait3A_197] : memref<2x2x256xi32, #tpu.memory_space<vmem>> -> memref<1x1x256xi32, #tpu.memory_space<vmem>>
          %dma_wait3A_199 = tpu.memref_squeeze %dma_wait3A_198 : memref<1x1x256xi32, #tpu.memory_space<vmem>> -> memref<256xi32, #tpu.memory_space<vmem>>
          %dma_wait3A_200 = arith.constant 0 : i32
          %dma_wait3A_201 = tpu.memref_slice %arg15[%dma_wait3A_200] : memref<10240xf32, #tpu.memory_space<vmem_shared>> -> memref<10240xf32, #tpu.memory_space<vmem_shared>>
          tpu.wait_indirect_dma semaphore(%run_scoped3A_191 : memref<!tpu.dma_semaphore, #tpu.memory_space<semaphore_mem>>) src(%arg10 : memref<256xf32, #tpu.memory_space<vmem>>) dst(%dma_wait3A_201 : memref<10240xf32, #tpu.memory_space<vmem_shared>>)
          tpu.yield
        }) : () -> ()
      } else {
      }
      %add3A_182 = arith.constant 2 : i32
      %add3A_183 = arith.addi %add3A_150, %add3A_182 : i32
      %lt3A_184 = arith.constant 80 : i32
      %lt3A_185 = arith.cmpi slt, %add3A_183, %lt3A_184 : i32
      %convert_element_type3A_186 = arith.extui %lt3A_185 : i1 to i32
      %cond3A_187 = arith.constant 0 : i32
      %cond3A_188 = arith.cmpi ne, %convert_element_type3A_186, %cond3A_187 : i32
      scf.if %cond3A_188 {
        %add3A_189 = arith.constant 2 : i32
        %add3A_190 = arith.addi %add3A_150, %add3A_189 : i32
        %dma_start3A_191 = arith.constant 1 : i32
        %dma_start3A_192 = arith.constant 1 : i32
        %dma_start3A_193 = arith.constant 0 : i32
        %dma_start3A_194 = arith.constant 0 : i32
        %dma_start3A_195 = tpu.memref_slice %arg8[%dma_start3A_191, %dma_start3A_193, %dma_start3A_194] : memref<2x2x256xi32, #tpu.memory_space<vmem>> -> memref<1x2x256xi32, #tpu.memory_space<vmem>>
        %dma_start3A_196 = tpu.memref_squeeze %dma_start3A_195 : memref<1x2x256xi32, #tpu.memory_space<vmem>> -> memref<2x256xi32, #tpu.memory_space<vmem>>
        %dma_start3A_197 = arith.constant 0 : i32
        %dma_start3A_198 = arith.constant 0 : i32
        %dma_start3A_199 = tpu.memref_slice %arg3[%arg1, %add3A_190, %dma_start3A_197, %dma_start3A_198] : memref<16x80x2x256xi32, #tpu.memory_space<hbm>> -> memref<1x1x2x256xi32, #tpu.memory_space<hbm>>
        %dma_start3A_200 = tpu.memref_squeeze %dma_start3A_199 : memref<1x1x2x256xi32, #tpu.memory_space<hbm>> -> memref<2x256xi32, #tpu.memory_space<hbm>>
        %dma_start3A_201 = tpu.memref_slice %arg17[%dma_start3A_192] : memref<2x!tpu.dma_semaphore, #tpu.memory_space<semaphore_mem>> -> memref<1x!tpu.dma_semaphore, #tpu.memory_space<semaphore_mem>>
        %dma_start3A_202 = tpu.memref_squeeze %dma_start3A_201 : memref<1x!tpu.dma_semaphore, #tpu.memory_space<semaphore_mem>> -> memref<!tpu.dma_semaphore, #tpu.memory_space<semaphore_mem>>
        %dma_start3A_203 = arith.constant 0 : i32
        %dma_start3A_204 = arith.constant 0 : i32
        %dma_start3A_205 = tpu.memref_slice %arg8[%dma_start3A_191, %dma_start3A_203, %dma_start3A_204] : memref<2x2x256xi32, #tpu.memory_space<vmem>> -> memref<1x2x256xi32, #tpu.memory_space<vmem>>
        %dma_start3A_206 = tpu.memref_squeeze %dma_start3A_205 : memref<1x2x256xi32, #tpu.memory_space<vmem>> -> memref<2x256xi32, #tpu.memory_space<vmem>>
        %dma_start3A_207 = arith.constant 0 : i32
        %dma_start3A_208 = arith.constant 0 : i32
        %dma_start3A_209 = tpu.memref_slice %arg3[%arg1, %add3A_190, %dma_start3A_207, %dma_start3A_208] : memref<16x80x2x256xi32, #tpu.memory_space<hbm>> -> memref<1x1x2x256xi32, #tpu.memory_space<hbm>>
        %dma_start3A_210 = tpu.memref_squeeze %dma_start3A_209 : memref<1x1x2x256xi32, #tpu.memory_space<hbm>> -> memref<2x256xi32, #tpu.memory_space<hbm>>
        tpu.enqueue_dma source(%dma_start3A_210 : memref<2x256xi32, #tpu.memory_space<hbm>>) target(%dma_start3A_206 : memref<2x256xi32, #tpu.memory_space<vmem>>) target_semaphore(%dma_start3A_202 : memref<!tpu.dma_semaphore, #tpu.memory_space<semaphore_mem>>)
      } else {
      }
    }
    %scan3A_98 = arith.constant 40 : i32
    %barrier3A_99 = arith.constant 0 : index
    tpu.barrier barrier_id(%barrier3A_99)
    "tpu.region"() ({
      %run_scoped3A = tpu.sem_alloc : memref<!tpu.dma_semaphore, #tpu.memory_space<semaphore_mem>>
      %dma_start3A_102 = arith.constant 0 : i32
      %dma_start3A_103 = tpu.memref_slice %arg6[%arg0, %mul3A_0, %dma_start3A_102] : memref<2x10240x64xf32, #tpu.memory_space<hbm>> -> memref<1x640x64xf32, #tpu.memory_space<hbm>>
      %dma_start3A_104 = tpu.memref_squeeze %dma_start3A_103 : memref<1x640x64xf32, #tpu.memory_space<hbm>> -> memref<640x64xf32, #tpu.memory_space<hbm>>
      %dma_start3A_105 = arith.constant 0 : i32
      %dma_start3A_106 = tpu.memref_slice %arg14[%mul3A_0, %dma_start3A_105] : memref<10240x64xf32, #tpu.memory_space<vmem_shared>> -> memref<640x64xf32, #tpu.memory_space<vmem_shared>>
      tpu.enqueue_dma source(%dma_start3A_106 : memref<640x64xf32, #tpu.memory_space<vmem_shared>>) target(%dma_start3A_104 : memref<640x64xf32, #tpu.memory_space<hbm>>) target_semaphore(%run_scoped3A : memref<!tpu.dma_semaphore, #tpu.memory_space<semaphore_mem>>)
      %dma_wait3A_107 = arith.constant 0 : i32
      %dma_wait3A_108 = tpu.memref_slice %arg6[%arg0, %mul3A_0, %dma_wait3A_107] : memref<2x10240x64xf32, #tpu.memory_space<hbm>> -> memref<1x640x64xf32, #tpu.memory_space<hbm>>
      %dma_wait3A_109 = tpu.memref_squeeze %dma_wait3A_108 : memref<1x640x64xf32, #tpu.memory_space<hbm>> -> memref<640x64xf32, #tpu.memory_space<hbm>>
      %dma_wait3A_110 = arith.constant 0 : i32
      %dma_wait3A_111 = tpu.memref_slice %arg14[%mul3A_0, %dma_wait3A_110] : memref<10240x64xf32, #tpu.memory_space<vmem_shared>> -> memref<640x64xf32, #tpu.memory_space<vmem_shared>>
      tpu.wait_dma2 semaphore(%run_scoped3A : memref<!tpu.dma_semaphore, #tpu.memory_space<semaphore_mem>>) src(%dma_wait3A_111 : memref<640x64xf32, #tpu.memory_space<vmem_shared>>) dst(%dma_wait3A_109 : memref<640x64xf32, #tpu.memory_space<hbm>>)
      tpu.yield
    }) : () -> ()
    %eq3A = arith.constant 0 : i32
    %eq3A_100 = arith.cmpi eq, %arg0, %eq3A : i32
    %convert_element_type3A = arith.extui %eq3A_100 : i1 to i32
    %cond3A = arith.constant 0 : i32
    %cond3A_101 = arith.cmpi ne, %convert_element_type3A, %cond3A : i32
    scf.if %cond3A_101 {
      %run_scoped3A = arith.constant 0 : i32
      %run_scoped3A_102 = arith.constant 0 : i32
      "tpu.region"() ({
        %run_scoped3A_103 = tpu.sem_alloc : memref<!tpu.dma_semaphore, #tpu.memory_space<semaphore_mem>>
        %dma_start3A_104 = tpu.memref_slice %arg7[%run_scoped3A, %run_scoped3A_102, %mul3A_0] : memref<1x1x10240xf32, #tpu.memory_space<hbm>> -> memref<1x1x640xf32, #tpu.memory_space<hbm>>
        %dma_start3A_105 = tpu.memref_squeeze %dma_start3A_104 : memref<1x1x640xf32, #tpu.memory_space<hbm>> -> memref<640xf32, #tpu.memory_space<hbm>>
        %dma_start3A_106 = tpu.memref_slice %arg15[%mul3A_0] : memref<10240xf32, #tpu.memory_space<vmem_shared>> -> memref<640xf32, #tpu.memory_space<vmem_shared>>
        tpu.enqueue_dma source(%dma_start3A_106 : memref<640xf32, #tpu.memory_space<vmem_shared>>) target(%dma_start3A_105 : memref<640xf32, #tpu.memory_space<hbm>>) target_semaphore(%run_scoped3A_103 : memref<!tpu.dma_semaphore, #tpu.memory_space<semaphore_mem>>)
        %dma_wait3A_107 = tpu.memref_slice %arg7[%run_scoped3A, %run_scoped3A_102, %mul3A_0] : memref<1x1x10240xf32, #tpu.memory_space<hbm>> -> memref<1x1x640xf32, #tpu.memory_space<hbm>>
        %dma_wait3A_108 = tpu.memref_squeeze %dma_wait3A_107 : memref<1x1x640xf32, #tpu.memory_space<hbm>> -> memref<640xf32, #tpu.memory_space<hbm>>
        %dma_wait3A_109 = tpu.memref_slice %arg15[%mul3A_0] : memref<10240xf32, #tpu.memory_space<vmem_shared>> -> memref<640xf32, #tpu.memory_space<vmem_shared>>
        tpu.wait_dma2 semaphore(%run_scoped3A_103 : memref<!tpu.dma_semaphore, #tpu.memory_space<semaphore_mem>>) src(%dma_wait3A_109 : memref<640xf32, #tpu.memory_space<vmem_shared>>) dst(%dma_wait3A_108 : memref<640xf32, #tpu.memory_space<hbm>>)
        tpu.yield
      }) : () -> ()
    } else {
    }
    return
  }
}

module attributes {stable_mosaic.version = 14 : i64} {
  func.func @body(%arg0: memref<2x10240x64xf32, #tpu.memory_space<vmem>>, %arg1: memref<1x10240x1xf32, #tpu.memory_space<vmem>>, %arg2: memref<10000x128xf32, #tpu.memory_space<vmem>>, %arg3: memref<128x128xf32, #tpu.memory_space<vmem>>, %arg4: memref<128xf32, #tpu.memory_space<vmem>>, %arg5: memref<128x128xf32, #tpu.memory_space<vmem>>, %arg6: memref<20480x64xf32, #tpu.memory_space<vmem>>) attributes {dimension_semantics = [], scalar_prefetch = 0 : i64, scratch_operands = 0 : i64, tpu.core_type = #tpu.core_type<tc>} {
    %get3A = arith.constant 0 : index
    %get3A_0 = arith.constant 0 : index
    %get3A_1 = arith.constant 0 : index
    %get3A_2 = vector.load %arg0[%get3A, %get3A_0, %get3A_1] : memref<2x10240x64xf32, #tpu.memory_space<vmem>>, vector<1x10240x64xf32>
    %get3A_3 = vector.shape_cast %get3A_2 : vector<1x10240x64xf32> to vector<10240x64xf32>
    %get3A_4 = arith.constant 1 : index
    %get3A_5 = arith.constant 0 : index
    %get3A_6 = arith.constant 0 : index
    %get3A_7 = vector.load %arg0[%get3A_4, %get3A_5, %get3A_6] : memref<2x10240x64xf32, #tpu.memory_space<vmem>>, vector<1x10240x64xf32>
    %get3A_8 = vector.shape_cast %get3A_7 : vector<1x10240x64xf32> to vector<10240x64xf32>
    %concatenate3A = tpu.concatenate %get3A_3, %get3A_8 in 1 : vector<10240x64xf32>, vector<10240x64xf32> -> vector<10240x128xf32>
    %get3A_9 = arith.constant 0 : index
    %get3A_10 = arith.constant 0 : index
    %get3A_11 = arith.constant 0 : index
    %get3A_12 = vector.load %arg1[%get3A_9, %get3A_10, %get3A_11] : memref<1x10240x1xf32, #tpu.memory_space<vmem>>, vector<1x10240x1xf32>
    %get3A_13 = vector.shape_cast %get3A_12 : vector<1x10240x1xf32> to vector<10240x1xf32>
    %max3A = arith.constant 1.000000e+00 : f32
    %max3A_14 = vector.broadcast %max3A : f32 to vector<10240x1xf32>
    %max3A_15 = arith.maximumf %get3A_13, %max3A_14 : vector<10240x1xf32>
    %div3A = arith.constant 1.000000e+00 : f32
    %div3A_16 = vector.broadcast %div3A : f32 to vector<10240x1xf32>
    %div3A_17 = arith.divf %div3A_16, %max3A_15 : vector<10240x1xf32>
    %mul3A = vector.broadcast %div3A_17 : vector<10240x1xf32> to vector<10240x128xf32>
    %mul3A_18 = arith.mulf %concatenate3A, %mul3A : vector<10240x128xf32>
    %get3A_19 = arith.constant 0 : index
    %get3A_20 = arith.constant 0 : index
    %get3A_21 = vector.load %arg2[%get3A_19, %get3A_20] : memref<10000x128xf32, #tpu.memory_space<vmem>>, vector<10000x128xf32>
    %slice3A = vector.extract_strided_slice %mul3A_18 {offsets = [0, 0], sizes = [10000, 128], strides = [1, 1]} : vector<10240x128xf32> to vector<10000x128xf32>
    %get3A_22 = arith.constant 0 : index
    %get3A_23 = arith.constant 0 : index
    %get3A_24 = vector.load %arg3[%get3A_22, %get3A_23] : memref<128x128xf32, #tpu.memory_space<vmem>>, vector<128x128xf32>
    %dot_general3A = arith.constant dense<0.000000e+00> : vector<10000x128xf32>
    %dot_general3A_25 = tpu.matmul %slice3A, %get3A_24, %dot_general3A {dimension_numbers = #tpu.dot_dimension_numbers<[1], [1], [0], [0], [0, 0, 1, 0], [], []>, transpose_lhs_hint = false} : vector<10000x128xf32>, vector<128x128xf32>, vector<10000x128xf32> -> vector<10000x128xf32>
    %get3A_26 = arith.constant 0 : index
    %get3A_27 = vector.load %arg4[%get3A_26] : memref<128xf32, #tpu.memory_space<vmem>>, vector<128xf32>
    %broadcast_in_dim3A = vector.shape_cast %get3A_27 : vector<128xf32> to vector<1x128xf32>
    %add3A = vector.broadcast %broadcast_in_dim3A : vector<1x128xf32> to vector<10000x128xf32>
    %add3A_28 = arith.addf %dot_general3A_25, %add3A : vector<10000x128xf32>
    %get3A_29 = arith.constant 0 : index
    %get3A_30 = arith.constant 0 : index
    %get3A_31 = vector.load %arg5[%get3A_29, %get3A_30] : memref<128x128xf32, #tpu.memory_space<vmem>>, vector<128x128xf32>
    %dot_general3A_32 = arith.constant dense<0.000000e+00> : vector<10000x128xf32>
    %dot_general3A_33 = tpu.matmul %get3A_21, %get3A_31, %dot_general3A_32 {dimension_numbers = #tpu.dot_dimension_numbers<[1], [1], [0], [0], [0, 0, 1, 0], [], []>, transpose_lhs_hint = false} : vector<10000x128xf32>, vector<128x128xf32>, vector<10000x128xf32> -> vector<10000x128xf32>
    %add3A_34 = arith.addf %add3A_28, %dot_general3A_33 : vector<10000x128xf32>
    %max3A_35 = arith.constant 0.000000e+00 : f32
    %max3A_36 = vector.broadcast %max3A_35 : f32 to vector<10000x128xf32>
    %max3A_37 = arith.maximumf %add3A_34, %max3A_36 : vector<10000x128xf32>
    %slice3A_38 = vector.extract_strided_slice %max3A_37 {offsets = [0, 0], sizes = [10000, 64], strides = [1, 1]} : vector<10000x128xf32> to vector<10000x64xf32>
    %swap3A = arith.constant 0 : index
    %swap3A_39 = arith.constant 0 : index
    %swap3A_40 = vector.load %arg6[%swap3A, %swap3A_39] : memref<20480x64xf32, #tpu.memory_space<vmem>>, vector<10000x64xf32>
    tpu.vector_store %arg6[%swap3A, %swap3A_39], %slice3A_38 {strides = array<i32>} : memref<20480x64xf32, #tpu.memory_space<vmem>>, vector<10000x64xf32>,
    %slice3A_41 = vector.extract_strided_slice %max3A_37 {offsets = [0, 64], sizes = [10000, 64], strides = [1, 1]} : vector<10000x128xf32> to vector<10000x64xf32>
    %swap3A_42 = arith.constant 10240 : index
    %swap3A_43 = arith.constant 0 : index
    %swap3A_44 = vector.load %arg6[%swap3A_42, %swap3A_43] : memref<20480x64xf32, #tpu.memory_space<vmem>>, vector<10000x64xf32>
    tpu.vector_store %arg6[%swap3A_42, %swap3A_43], %slice3A_41 {strides = array<i32>} : memref<20480x64xf32, #tpu.memory_space<vmem>>, vector<10000x64xf32>,
    return
  }
}

module attributes {stable_mosaic.version = 14 : i64} {
  func.func @body(%arg0: memref<2x10240x64xf32, #tpu.memory_space<vmem>>, %arg1: memref<1x10240x1xf32, #tpu.memory_space<vmem>>, %arg2: memref<20480x64xf32, #tpu.memory_space<vmem>>, %arg3: memref<128x128xf32, #tpu.memory_space<vmem>>, %arg4: memref<128xf32, #tpu.memory_space<vmem>>, %arg5: memref<128x128xf32, #tpu.memory_space<vmem>>, %arg6: memref<10000x128xf32, #tpu.memory_space<vmem>>) attributes {dimension_semantics = [], scalar_prefetch = 0 : i64, scratch_operands = 0 : i64, tpu.core_type = #tpu.core_type<tc>} {
    %get3A = arith.constant 0 : index
    %get3A_0 = arith.constant 0 : index
    %get3A_1 = arith.constant 0 : index
    %get3A_2 = vector.load %arg0[%get3A, %get3A_0, %get3A_1] : memref<2x10240x64xf32, #tpu.memory_space<vmem>>, vector<1x10240x64xf32>
    %get3A_3 = vector.shape_cast %get3A_2 : vector<1x10240x64xf32> to vector<10240x64xf32>
    %get3A_4 = arith.constant 1 : index
    %get3A_5 = arith.constant 0 : index
    %get3A_6 = arith.constant 0 : index
    %get3A_7 = vector.load %arg0[%get3A_4, %get3A_5, %get3A_6] : memref<2x10240x64xf32, #tpu.memory_space<vmem>>, vector<1x10240x64xf32>
    %get3A_8 = vector.shape_cast %get3A_7 : vector<1x10240x64xf32> to vector<10240x64xf32>
    %concatenate3A = tpu.concatenate %get3A_3, %get3A_8 in 1 : vector<10240x64xf32>, vector<10240x64xf32> -> vector<10240x128xf32>
    %get3A_9 = arith.constant 0 : index
    %get3A_10 = arith.constant 0 : index
    %get3A_11 = arith.constant 0 : index
    %get3A_12 = vector.load %arg1[%get3A_9, %get3A_10, %get3A_11] : memref<1x10240x1xf32, #tpu.memory_space<vmem>>, vector<1x10240x1xf32>
    %get3A_13 = vector.shape_cast %get3A_12 : vector<1x10240x1xf32> to vector<10240x1xf32>
    %max3A = arith.constant 1.000000e+00 : f32
    %max3A_14 = vector.broadcast %max3A : f32 to vector<10240x1xf32>
    %max3A_15 = arith.maximumf %get3A_13, %max3A_14 : vector<10240x1xf32>
    %div3A = arith.constant 1.000000e+00 : f32
    %div3A_16 = vector.broadcast %div3A : f32 to vector<10240x1xf32>
    %div3A_17 = arith.divf %div3A_16, %max3A_15 : vector<10240x1xf32>
    %mul3A = vector.broadcast %div3A_17 : vector<10240x1xf32> to vector<10240x128xf32>
    %mul3A_18 = arith.mulf %concatenate3A, %mul3A : vector<10240x128xf32>
    %get3A_19 = arith.constant 0 : index
    %get3A_20 = arith.constant 0 : index
    %get3A_21 = vector.load %arg2[%get3A_19, %get3A_20] : memref<20480x64xf32, #tpu.memory_space<vmem>>, vector<10000x64xf32>
    %get3A_22 = arith.constant 10240 : index
    %get3A_23 = arith.constant 0 : index
    %get3A_24 = vector.load %arg2[%get3A_22, %get3A_23] : memref<20480x64xf32, #tpu.memory_space<vmem>>, vector<10000x64xf32>
    %concatenate3A_25 = tpu.concatenate %get3A_21, %get3A_24 in 1 : vector<10000x64xf32>, vector<10000x64xf32> -> vector<10000x128xf32>
    %slice3A = vector.extract_strided_slice %mul3A_18 {offsets = [0, 0], sizes = [10000, 128], strides = [1, 1]} : vector<10240x128xf32> to vector<10000x128xf32>
    %get3A_26 = arith.constant 0 : index
    %get3A_27 = arith.constant 0 : index
    %get3A_28 = vector.load %arg3[%get3A_26, %get3A_27] : memref<128x128xf32, #tpu.memory_space<vmem>>, vector<128x128xf32>
    %dot_general3A = arith.constant dense<0.000000e+00> : vector<10000x128xf32>
    %dot_general3A_29 = tpu.matmul %slice3A, %get3A_28, %dot_general3A {dimension_numbers = #tpu.dot_dimension_numbers<[1], [1], [0], [0], [0, 0, 1, 0], [], []>, transpose_lhs_hint = false} : vector<10000x128xf32>, vector<128x128xf32>, vector<10000x128xf32> -> vector<10000x128xf32>
    %get3A_30 = arith.constant 0 : index
    %get3A_31 = vector.load %arg4[%get3A_30] : memref<128xf32, #tpu.memory_space<vmem>>, vector<128xf32>
    %broadcast_in_dim3A = vector.shape_cast %get3A_31 : vector<128xf32> to vector<1x128xf32>
    %add3A = vector.broadcast %broadcast_in_dim3A : vector<1x128xf32> to vector<10000x128xf32>
    %add3A_32 = arith.addf %dot_general3A_29, %add3A : vector<10000x128xf32>
    %get3A_33 = arith.constant 0 : index
    %get3A_34 = arith.constant 0 : index
    %get3A_35 = vector.load %arg5[%get3A_33, %get3A_34] : memref<128x128xf32, #tpu.memory_space<vmem>>, vector<128x128xf32>
    %dot_general3A_36 = arith.constant dense<0.000000e+00> : vector<10000x128xf32>
    %dot_general3A_37 = tpu.matmul %concatenate3A_25, %get3A_35, %dot_general3A_36 {dimension_numbers = #tpu.dot_dimension_numbers<[1], [1], [0], [0], [0, 0, 1, 0], [], []>, transpose_lhs_hint = false} : vector<10000x128xf32>, vector<128x128xf32>, vector<10000x128xf32> -> vector<10000x128xf32>
    %add3A_38 = arith.addf %add3A_32, %dot_general3A_37 : vector<10000x128xf32>
    %swap3A = arith.constant 0 : index
    %swap3A_39 = arith.constant 0 : index
    %swap3A_40 = vector.load %arg6[%swap3A, %swap3A_39] : memref<10000x128xf32, #tpu.memory_space<vmem>>, vector<10000x128xf32>
    tpu.vector_store %arg6[%swap3A, %swap3A_39], %add3A_38 {strides = array<i32>} : memref<10000x128xf32, #tpu.memory_space<vmem>>, vector<10000x128xf32>,
    return
  }
}

</mosaic_0001>

<sc_bundles>
// kernel: kernel.6.cloned.1.call-start
scs
__scs_entry_jumppad:
0x0: {  	(pc) =	sbr.rel $0x88, $3  }
0x1: {  	(tag) =	ssettag $0x0;
	lr =	simm.s32 $0x1  }
0x2: {  	[smem:$0x3F99] =	sst lr;
	_ =	strace $0xD0000000  }
0x3: {  	_ = 	snop  }
0x4: {  	_ = 	snop  }
0x5: {  	_ = 	snop  }
0x6: {  	_ = 	snop  }
0x7: {  	_ = 	snop  }
__scs_overlays_trampoline_lowered:
0x8: {  	[smem:$0x3FA8] =	sst s0  }
0x9: {  	[smem:$0x3FA9] =	sst s1  }
0xa: {  	[smem:$0x3FAA] =	sst s2  }
0xb: {  	[smem:$0x3FAB] =	sst s3  }
0xc: {  	[smem:$0x3FAC] =	sst s4  }
0xd: {  	[smem:$0x3FAD] =	sst s5  }
0xe: {  	[smem:$0x3FAE] =	sst s6  }
0xf: {  	[smem:$0x3FAF] =	sst s7  }
0x10: {  	[smem:$0x3FB0] =	sst s8  }
0x11: {  	[smem:$0x3FB1] =	sst s9;
	s0 =	simm.s32 @!p0 $0x0  }
0x12: {  	s1 =	sld [smem:$0x3F97];
	s0 =	simm.s32 @p0 $0x1  }
0x13: {  	[smem:$0x3FB2] =	sst s0;
	s0 =	simm.s32 @!p1 $0x0  }
0x14: {  	s2 =	sld [smem:$0x3F96];
	s0 =	simm.s32 @p1 $0x1  }
0x15: {  	[smem:$0x3FB3] =	sst s0;
	s0 =	simm.s32 @!p2 $0x0  }
0x16: {  	s3 =	sld [smem:$0x3FDB];
	s0 =	simm.s32 @p2 $0x1  }
0x17: {  	s4 =	simm.s32 $0x1BF5;
	[smem:$0x3FB5] =	sst s0  }
0x18: {  	s0 =	sld [smem:$0x3F98];
	_ =	swait.ge [sflag:s4], $0x0  }
0x19: {  	s7 =	sld [smem:$0x3F99]  }
0x1a: {  	s8 =	sadd.s32 $0xFFFFE003, lr  }
0x1b: {  	s9 =	sadd.s32 $0xFFFFFEF7, lr;
	s5 =	simm.s32 $0xFFFFFFFF;
	p2 =	slt.u32 s8, $0xFFFFF086  }
0x1c: {  	p1 =	slt.u32 s9, $0xF7A;
	s5 =	simm.s32 @!p2 $0x0  }
0x1d: {  	s5 =	simm.s32 @p1 $0x1;
	p0 =	seq.s32 s7, s2  }
0x1e: {  	s7 =	smul.u32 @!p0 $0xF7A, s2;
	p2 =	seq.s32 @!p0 s5, $0x0  }
0x1f: {  	s9 =	smul.u32 $0xF7A, s1;
	s8 =	simm.s32 @!p0 $0x1BF5;
	p2 =	por !p2, p0  }
0x20: {  	[sflag:s8] =	ssyncset.s32 @!p0 $0xFFFFF086;
	s6 =	sadd.s32 @!p0 s3, s7;
	s7 =	simm.s32 @!p0 $0x108  }
0x21: {  	s3 =	sadd.s32 s3, s9;
	s6 =	sadd.s32 @!p0 $0x88, s6;
	s7 =	simm.s32 @p2 $0x1082  }
0x22: {  	[simem:s7], [sflag:s8] =	dma.local @!p0 [hbm:s6], $0xF7A  }
0x23: {  	s9 =	sor.u32 $0xD0000000, s2;
	s6 =	simm.s32 $0x108;
	_ =	swait.ge @!p0 [sflag:s8], $0x0  }
0x24: {  	s3 =	sadd.s32 $0x88, s3;
	s6 =	simm.s32 @!p1 $0x1082;
	[sflag:s4] =	ssyncset.s32 $0xFFFFF086  }
0x25: {  	[simem:s6], [sflag:s4] =	dma.local [hbm:s3], $0xF7A  }
0x26: {  	[smem:$0x3F99] =	sst s1;
	(tag) =	ssettag s2;
	_ =	strace s9  }
0x27: {  	s1 =	sld [smem:$0x3FA9]  }
0x28: {  	s2 =	sld [smem:$0x3FAA]  }
0x29: {  	s4 =	sld [smem:$0x3FAC]  }
0x2a: {  	p0 =	seq.s32 s5, $0x0;
	s5 =	sld [smem:$0x3FAD]  }
0x2b: {  	s6 =	sld [smem:$0x3FAE]  }
0x2c: {  	s7 =	sld [smem:$0x3FAF]  }
0x2d: {  	s3 =	simm.s32 $0x108;
	s8 =	sld [smem:$0x3FB0]  }
0x2e: {  	s3 =	simm.s32 @!p0 $0x1082;
	s9 =	sld [smem:$0x3FB1]  }
0x2f: {  	lr =	sadd.s32 s0, s3;
	s0 =	sld [smem:$0x3FA8]  }
0x30: {  	s3 =	sld [smem:$0x3FAB]  }
0x31: {  	[smem:$0x3FB4] =	sst s10  }
0x32: {  	s10 =	sld [smem:$0x3FB2];
	_ =	sdelay $0x3  }
0x33: {  	p0 =	seq.s32 s10, $0x1;
	s10 =	sld [smem:$0x3FB4];
	_ =	sdelay $0x3  }
0x34: {  	[smem:$0x3FB4] =	sst s10  }
0x35: {  	s10 =	sld [smem:$0x3FB3];
	_ =	sdelay $0x3  }
0x36: {  	p1 =	seq.s32 s10, $0x1;
	s10 =	sld [smem:$0x3FB4];
	_ =	sdelay $0x3  }
0x37: {  	[smem:$0x3FB4] =	sst s10  }
0x38: {  	s10 =	sld [smem:$0x3FB5]  }
0x39: {  	_ = 	snop;
	(pc) =	sbr.ind lr, $3  }
0x3a: {  	_ = 	snop  }
0x3b: {  	_ = 	snop  }
0x3c: {  	p2 =	seq.s32 s10, $0x1;
	s10 =	sld [smem:$0x3FB4]  }
0x3d: {  	_ =	shalt  }
0x3e: {  	_ =	shalt  }
0x3f: {  	_ =	shalt  }
0x40: {  	_ =	shalt  }
0x41: {  	_ =	shalt  }
0x42: {  	_ =	shalt  }
0x43: {  	_ =	shalt  }
0x44: {  	_ =	shalt  }
0x45: {  	_ =	shalt  }
0x46: {  	_ =	shalt  }
0x47: {  	_ =	shalt  }
0x48: {  	_ =	shalt  }
0x49: {  	_ =	shalt  }
0x4a: {  	_ =	shalt  }
0x4b: {  	_ =	shalt  }
0x4c: {  	_ =	shalt  }
0x4d: {  	_ =	shalt  }
0x4e: {  	_ =	shalt  }
0x4f: {  	_ =	shalt  }
0x50: {  	_ =	shalt  }
0x51: {  	_ =	shalt  }
0x52: {  	_ =	shalt  }
0x53: {  	_ =	shalt  }
0x54: {  	_ =	shalt  }
0x55: {  	_ =	shalt  }
0x56: {  	_ =	shalt  }
0x57: {  	_ =	shalt  }
0x58: {  	_ =	shalt  }
0x59: {  	_ =	shalt  }
0x5a: {  	_ =	shalt  }
0x5b: {  	_ =	shalt  }
0x5c: {  	_ =	shalt  }
0x5d: {  	_ =	shalt  }
0x5e: {  	_ =	shalt  }
0x5f: {  	_ =	shalt  }
0x60: {  	_ =	shalt  }
0x61: {  	_ =	shalt  }
0x62: {  	_ =	shalt  }
0x63: {  	_ =	shalt  }
0x64: {  	_ =	shalt  }
0x65: {  	_ =	shalt  }
0x66: {  	_ =	shalt  }
0x67: {  	_ =	shalt  }
0x68: {  	_ =	shalt  }
0x69: {  	_ =	shalt  }
0x6a: {  	_ =	shalt  }
0x6b: {  	_ =	shalt  }
0x6c: {  	_ =	shalt  }
0x6d: {  	_ =	shalt  }
0x6e: {  	_ =	shalt  }
0x6f: {  	_ =	shalt  }
0x70: {  	_ =	shalt  }
0x71: {  	_ =	shalt  }
0x72: {  	_ =	shalt  }
0x73: {  	_ =	shalt  }
0x74: {  	_ =	shalt  }
0x75: {  	_ =	shalt  }
0x76: {  	_ =	shalt  }
0x77: {  	_ =	shalt  }
0x78: {  	_ =	shalt  }
0x79: {  	_ =	shalt  }
0x7a: {  	_ =	shalt  }
0x7b: {  	_ =	shalt  }
0x7c: {  	_ =	shalt  }
0x7d: {  	_ =	shalt  }
0x7e: {  	_ =	shalt  }
0x7f: {  	_ =	shalt  }
0x80: {  	_ =	shalt  }
0x81: {  	_ =	shalt  }
0x82: {  	_ =	shalt  }
0x83: {  	_ =	shalt  }
0x84: {  	_ =	shalt  }
0x85: {  	_ =	shalt  }
0x86: {  	_ =	shalt  }
0x87: {  	_ =	shalt  }
.Lfunc_end0:
.L_simem_size_0:
called_computation_lowered:
.L_overlay_start_0:
0x88: {  	s2 =	sld [smem:$0x3FD9]  }
0x89: {  	s3 =	sld [smem:$0x3FFE];
	_ =	sdelay $0x1  }
0x8a: {  	s1 =	srdreg.scid  }
0x8b: {  	s0 =	sand.u32 $0x1, s1  }
0x8c: {  	s17 =	sshll.u32 s0, $0xA;
	s2 =	sadd.s32 s3, s2  }
0x8d: {  	s2 =	sadd.s32 s2, s17  }
0x8e: {  	[smem:$0x3FC0] =	sst s2  }
0x8f: {  	_ = 	snop  }
0x90: {  	s2 =	sld [smem:$0x3FD0];
	(tm) =	ssettm $0x1  }
0x91: {  	s18 =	sld [smem:$0x3FFB];
	_ =	sdelay $0x3  }
0x92: {  	_ =	strace s18  }
0x93: {  	s3 =	sld [smem:$0x3FFC];
	_ =	sdelay $0x3  }
0x94: {  	_ =	strace s3  }
0x95: {  	s3 =	sld [smem:$0x3FFD];
	_ =	sdelay $0x3  }
0x96: {  	_ =	strace s3  }
0x97: {  	_ =	strace $0x8FFFFFFF  }
0x98: {  	s19 =	sld [smem:$0x3FDB];
	_ =	sdelay $0x1  }
0x99: {  	s4 =	simm.s32 $_scs_section_size  }
0x9a: {  	s5 =	simm.s32 $_size__tile_overlayer_lowered;
	s6 =	simm.s32 $_tile_overlayer_lowered  }
0x9b: {  	s22 =	simm.s32 $0x1BFF;
	s21 =	sshll.u32 s6, $0x1;
	s3 =	sadd.s32 s4, s19  }
0x9c: {  	s7 =	simm.s32 $0x0;
	s20 =	sshll.u32 s5, $0x1;
	s5 =	sadd.s32 s21, s3  }
0x9d: {  	[timem:s7], [sflag:s22] =	dma.local [hbm:s5], s20  }
0x9e: {  	_ =	swait.ge [sflag:s22], s20  }
0x9f: {  	s4 =	ssub.s32 $0x0, s20;
	[sflag:s22] =	ssyncset.done $0x0  }
0xa0: {  	[sflag:s22] =	ssyncadd.s32 s4;
	_ =	sdelay $0x1  }
0xa1: {  	s23 =	simm.s32 $0x1B8B  }
0xa2: {  	_ =	swait.ge [sflag:s23], $0x1  }
0xa3: {  	[sflag:s23] =	ssyncset.done $0x0  }
0xa4: {  	s25 =	simm.s32 $0x1B8E;
	s24 =	sld [smem:$0x3FFE];
	[sflag:s23] =	ssyncadd.s32 $0xFFFFFFFF  }
0xa5: {  	s26 =	simm.s32 $execute0_lowered;
	[smem:$0x3FD2] =	sst s25  }
0xa6: {  	s5 =	sshll.u32 s26, $0x1;
	_ =	strace $0x80000046;
	[dreg:$0x1] =	wrdreg $0xFFFFFFFF  }
0xa7: {  	s28 =	simm.s32 $_size_execute0_lowered;
	s3 =	sadd.s32 s3, s5;
	[dreg:$0x0] =	wrdreg $0x0  }
0xa8: {  	s5 =	sshll.u32 s28, $0x1;
	[dreg:$0x2] =	wrdreg s3  }
0xa9: {  	[dreg:$0x3] =	wrdreg s5  }
0xaa: {  	[dreg:$0x4] =	wrdreg $0xC0  }
0xab: {  	_ =	task [dreg:s7], $0x5FFFF  }
0xac: {  	[dreg:$0x1] =	wrdreg $0xFFFFFFFF  }
0xad: {  	[dreg:$0x0] =	wrdreg $0x60  }
0xae: {  	[dreg:$0x2] =	wrdreg s24  }
0xaf: {  	[dreg:$0x3] =	wrdreg s2  }
0xb0: {  	[dreg:$0x4] =	wrdreg $0xA7800  }
0xb1: {  	[dreg:$0x5] =	wrdreg $0x147800  }
0xb2: {  	[dreg:$0x6] =	wrdreg $0x1E7800  }
0xb3: {  	[dreg:$0x7] =	wrdreg $0x9  }
0xb4: {  	_ =	task.clear_ibuf [dreg:s7], $0x8FFFF;
	_ =	strace $0x90000046  }
0xb5: {  	s29 =	simm.s32 $0x9;
	_ =	strace $0x80000048  }
0xb6: {  	_ =	swait.ge [sflag:s29], $0x1  }
0xb7: {  	[sflag:s29] =	ssyncadd.s32 $0xFFFFFFFF  }
0xb8: {  	_ =	strace $0x90000048  }
0xb9: {  	_ =	sfence  }
0xba: {  	s30 =	sld [smem:$0x0];
	_ =	sdelay $0x2  }
0xbb: {  	s31 =	sshll.u32 s1, $0xD;
	s1 =	sshrl.u32 s1, $0x2  }
0xbc: {  	s3 =	sand.u32 $0x4000, s31;
	s1 =	sadd.s32 s1, s30  }
0xbd: {  	s0 =	sor.u32 s3, s0;
	s1 =	sshll.u32 s1, $0x11  }
0xbe: {  	s0 =	sor.u32 s1, s0  }
0xbf: {  	s0 =	sadd.s32 $0x8F2B, s0  }
0xc0: {  	[sflag:s0] =	ssyncadd.remote.s32 $0x1  }
0xc1: {  	_ =	sfence.sel $0xFFFF  }
0xc2: {  	[dreg:$0x0] =	wrdreg $0xFFFFFFFF;
	(pc) =	sbr.abs _section_cstart, $3  }
0xc3: {  	[dreg:$0x1] =	wrdreg $0xFFFFFFFF  }
0xc4: {  	_ =	task.clear_ibuf [dreg:s7], $0x2FFFF;
	_ =	strace $0x9FFFFFFF  }
0xc5: {  	(tm) =	ssettm $0x7FFFFFFF  }
tec
execute0_lowered:
.L_overlay_start_1:
0x0: {  	(tag) =	ssettag $0x1  }
0x1: {  	s0 =	rddreg [dreg:$0x0]  }
0x2: {  	s6 =	rddreg [dreg:$0x1]  }
0x3: {  	s1 =	srdreg.scid;
	s2 =	rddreg [dreg:$0x2]  }
0x4: {  	s15 =	stileid.u32;
	s3 =	rddreg [dreg:$0x3]  }
0x5: {  	s4 =	rddreg [dreg:$0x4];
	s5 =	simm.s32 $0x0;
	s28 =	simm.s32 $0x100  }
0x6: {  	s29 =	simm.s32 $0x400;
	s30 =	simm.s32 $0x1;
	s7 =	smul.u32 $0x280, s15  }
0x7: {  	s1 =	sand.u32 $0x1, s1;
	s9 =	smul.u32 $0xA000, s15;
	[smem:$0x7FF] =	sst s5  }
0x8: {  	s11 =	sadd.s32 $0x2A000, s0;
	s23 =	sadd.s32 $0x29E00, s0;
	s13 =	smul.u32 $0x28000, s15  }
0x9: {  	s8 =	smul.u32 $0x2800, s1;
	_ =	strace $0x80000047;
	[dreg:$0x6] =	wrdreg s11  }
0xa: {  	s31 =	simm.s32 $0x4;
	s10 =	smul.u32 $0xA0000, s1;
	[dreg:$0x7] =	wrdreg s23  }
0xb: {  	s12 =	ssub.s32 $0x2, s1;
	p0 =	sne.s32 s1, $0x0;
	s1 =	simm.s32 $0x4400  }
0xc: {  	s24 =	sshrl.u32 s7, $0x3;
	s25 =	sshrl.u32 s12, $0x1;
	s14 =	sshrl.u32 s9, $0x3  }
0xd: {  	s26 =	sshrl.u32 s13, $0x2;
	s17 =	sadd.s32 s9, s2;
	s11 =	sadd.s32 s9, s3  }
0xe: {  	s8 =	sadd.s32 s7, s8;
	s10 =	sadd.s32 s9, s10;
	s12 =	ssub.s32 s12, s25  }
0xf: {  	s14 =	sadd.s32 s6, s14;
	s20 =	sadd.s32 s26, s3;
	s8 =	sshll.u32 s8, $0x3  }
0x10: {  	s10 =	sshrl.u32 s10, $0x3;
	[dreg:$0x8] =	wrdreg s14;
	s16 =	sadd.s32 $0x40, s14  }
0x11: {  	s21 =	sadd.s32 $0x2000, s20;
	s22 =	sadd.s32 $0x4000, s20;
	[dreg:$0x9] =	wrdreg s16  }
0x12: {  	s23 =	sadd.s32 $0x6000, s20;
	s25 =	sadd.s32 $0x8000, s20;
	[dreg:$0xb] =	wrdreg s21  }
0x13: {  	s19 =	smax.u32 s12, $0x1;
	s8 =	sadd.s32 s8, s0;
	[dreg:$0xc] =	wrdreg s22  }
0x14: {  	s10 =	sadd.s32 s10, s0;
	s0 =	sadd.s32 s24, s0;
	[dreg:$0xd] =	wrdreg s23  }
0x15: {  	s24 =	smul.u32 $0x1400, s15;
	[dreg:$0xe] =	wrdreg s25;
	s16 =	sadd.s32 s7, s4  }
0x16: {  	s21 =	simm.s32 $0x8500;
	s22 =	simm.s32 $0x5;
	s23 =	simm.s32 $0xA500  }
0x17: {  	s25 =	sshrl.u32 s17, $0x3;
	s7 =	simm.s32 $0x0;
	s8 =	sadd.s32 $0x1E00, s8  }
0x18: {  	s26 =	sadd.s32 $0x2AA00, s10;
	s18 =	sadd.s32 $0x2A400, s0;
	[dreg:$0xa] =	wrdreg s8  }
0x19: {  	s0 =	simm.s32 $0x2;
	[dreg:$0xf] =	wrdreg s26;
	s20 =	sadd.s32 s24, s6  }
0x1a: {  	v0 =	vimm.f32 $1.000000000e+00;
	s24 =	simm.s32 $0x200;
	s26 =	simm.s32 $0x3;
	s6 =	simm.s32 $0x300  }
.LBB2_1:
0x1b: {  	s8 =	rddreg [dreg:$0x6]  }
0x1c: {  	[tilespmem:s21], [sflag:$0x5] =	stream.linear.gather [hbm4b:s8+s5], $0x2000, $0x38;
	[tilespmem:$0x1EA00] =	vst v63  }
0x1d: {  	_ =	swait.ge [sflag:s22], $0x2000  }
0x1e: {  	[sflag:s22] =	ssyncset.done $0x0  }
0x1f: {  	s14 =	rddreg [dreg:$0x7];
	[sflag:s22] =	ssyncadd.s32 $0xFFFFE000  }
0x20: {  	[tilespmem:s23], [sflag:$0x5] =	stream.linear.gather [hbm4b:s14+s5], $0x280, $0x38;
	[tilespmem:$0x1EA00] =	vst v63  }
0x21: {  	_ =	swait.ge [sflag:s22], $0x280  }
0x22: {  	s9 =	stileid.u32;
	[sflag:s22] =	ssyncset.done $0x0;
	s15 =	rddreg [dreg:$0x8]  }
0x23: {  	s8 =	sshll.u32 s9, $0x6;
	s17 =	rddreg [dreg:$0x9];
	[sflag:s22] =	ssyncadd.s32 $0xFFFFFD80  }
0x24: {  	[tilespmem:s5], [sflag:$0x3] =	stream.linear.gather [hbm4b:s15+s5], $0x200, $0x38;
	[tilespmem:$0x1EA00] =	vst v63  }
0x25: {  	s9 =	sor.u32 $0x1C05, s8;
	s10 =	rddreg [dreg:$0xa]  }
0x26: {  	[tilespmem:s24], [sflag:$0x4] =	stream.linear.gather [hbm4b:s17+s5], $0x200, $0x38;
	[tilespmem:$0x1EA00] =	vst v63  }
0x27: {  	[spmem:s25], [sflag:s9] =	dma.local [hbm:s10], $0x1400  }
0x28: {  	_ =	swait.ge [sflag:s22], $0x1400  }
0x29: {  	[sflag:s22] =	ssyncset.done $0x0  }
0x2a: {  	[sflag:s22] =	ssyncadd.s32 $0xFFFFEC00  }
0x2b: {  	[tilespmem:$0x8400] =	vst v0  }
0x2c: {  	[tilespmem:$0x8410] =	vst v0  }
0x2d: {  	[tilespmem:$0x8420] =	vst v0  }
0x2e: {  	[tilespmem:$0x8430] =	vst v0  }
0x2f: {  	[tilespmem:$0x8440] =	vst v0  }
0x30: {  	[tilespmem:$0x8450] =	vst v0  }
0x31: {  	[tilespmem:$0x8460] =	vst v0  }
0x32: {  	[tilespmem:$0x8470] =	vst v0  }
0x33: {  	[tilespmem:$0x8480] =	vst v0  }
0x34: {  	[tilespmem:$0x8490] =	vst v0  }
0x35: {  	[tilespmem:$0x84A0] =	vst v0  }
0x36: {  	[tilespmem:$0x84B0] =	vst v0  }
0x37: {  	[tilespmem:$0x84C0] =	vst v0  }
0x38: {  	[tilespmem:$0x84D0] =	vst v0  }
0x39: {  	[tilespmem:$0x84E0] =	vst v0  }
0x3a: {  	[tilespmem:$0x84F0] =	vst v0  }
0x3b: {  	[spmem:s11] =	stream.linear.scatter [tilespmem:s21], [sflag:$0x5], $0x2000, $0x38;
	[tilespmem:$0x1EA00] =	vst v63  }
0x3c: {  	_ =	swait.ge [sflag:s22], $0x2000  }
0x3d: {  	[sflag:s22] =	ssyncset.done $0x0  }
0x3e: {  	s12 =	rddreg [dreg:$0xb];
	[sflag:s22] =	ssyncadd.s32 $0xFFFFE000  }
0x3f: {  	[spmem:s12] =	stream.linear.scatter [tilespmem:s21], [sflag:$0x5], $0x2000, $0x38;
	[tilespmem:$0x1EA00] =	vst v63  }
0x40: {  	_ =	swait.ge [sflag:s22], $0x2000  }
0x41: {  	[sflag:s22] =	ssyncset.done $0x0  }
0x42: {  	s13 =	rddreg [dreg:$0xc];
	[sflag:s22] =	ssyncadd.s32 $0xFFFFE000  }
0x43: {  	[spmem:s13] =	stream.linear.scatter [tilespmem:s21], [sflag:$0x5], $0x2000, $0x38;
	[tilespmem:$0x1EA00] =	vst v63  }
0x44: {  	_ =	swait.ge [sflag:s22], $0x2000  }
0x45: {  	[sflag:s22] =	ssyncset.done $0x0  }
0x46: {  	s14 =	rddreg [dreg:$0xd];
	[sflag:s22] =	ssyncadd.s32 $0xFFFFE000  }
0x47: {  	[spmem:s14] =	stream.linear.scatter [tilespmem:s21], [sflag:$0x5], $0x2000, $0x38;
	[tilespmem:$0x1EA00] =	vst v63  }
0x48: {  	_ =	swait.ge [sflag:s22], $0x2000  }
0x49: {  	[sflag:s22] =	ssyncset.done $0x0  }
0x4a: {  	s15 =	rddreg [dreg:$0xe];
	[sflag:s22] =	ssyncadd.s32 $0xFFFFE000  }
0x4b: {  	[spmem:s15] =	stream.linear.scatter [tilespmem:s21], [sflag:$0x5], $0x2000, $0x38;
	[tilespmem:$0x1EA00] =	vst v63  }
0x4c: {  	_ =	swait.ge [sflag:s22], $0x2000  }
0x4d: {  	[sflag:s22] =	ssyncset.done $0x0  }
0x4e: {  	[sflag:s22] =	ssyncadd.s32 $0xFFFFE000  }
0x4f: {  	[spmem:s16] =	stream.linear.scatter [tilespmem:s23], [sflag:$0x5], $0x280, $0x38;
	[tilespmem:$0x1EA00] =	vst v63  }
0x50: {  	_ =	swait.ge [sflag:s22], $0x280  }
0x51: {  	[sflag:s22] =	ssyncset.done $0x0  }
0x52: {  	[sflag:s22] =	ssyncadd.s32 $0xFFFFFD80  }
0x53: {  	[bflag:$0x0] =	sbarrier.arrive $0xFFFF  }
0x54: {  	_ =	swait.ge [sflag:s26], $0x200  }
0x55: {  	[sflag:s26] =	ssyncset.done $0x0  }
0x56: {  	[sflag:s26] =	ssyncadd.s32 $0xFFFFFE00  }
0x57: {  	[tilespmem:s29], [sflag:$0x1] =	stream.indirect.gather [spmem:s2], $0x40, s5, s28, $0xb8;
	[tilespmem:$0x1EA00] =	vst v63  }
0x58: {  	_ =	swait.ge [sflag:s30], $0x4000  }
0x59: {  	[sflag:s30] =	ssyncset.done $0x0  }
0x5a: {  	[sflag:s30] =	ssyncadd.s32 $0xFFFFC000  }
0x5b: {  	_ =	swait.ge [sflag:s31], $0x200  }
0x5c: {  	[sflag:s31] =	ssyncset.done $0x0  }
0x5d: {  	[sflag:s31] =	ssyncadd.s32 $0xFFFFFE00  }
0x5e: {  	[tilespmem:s1], [sflag:$0x2] =	stream.indirect.gather [spmem:s2], $0x40, s24, s28, $0xb8;
	[tilespmem:$0x1EA00] =	vst v63  }
0x5f: {  	_ = 	snop  }
0x60: {  	[spmem:s3] =	stream.indirect.scatter.add.f32 [tilespmem:s29], [sflag:$0x5], $0x40, s28, s28, $0xb8;
	[tilespmem:$0x1EA00] =	vst v63  }
0x61: {  	_ =	swait.ge [sflag:s22], $0x4000  }
0x62: {  	s10 =	simm.s32 @!p0 $0x5;
	[sflag:s22] =	ssyncset.done $0x0  }
0x63: {  	s12 =	simm.s32 @!p0 $0x100;
	s13 =	simm.s32 @!p0 $0x8400;
	[sflag:s22] =	ssyncadd.s32 $0xFFFFC000  }
0x64: {  	[spmem:s4] =	stream.indirect.scatter.add.f32 @!p0 [tilespmem:s13], [sflag:$0x5], $0x1, s12, s12, $0xb8;
	[tilespmem:$0x1EA00] =	vst v63  }
0x65: {  	_ =	swait.ge @!p0 [sflag:s10], $0x100  }
0x66: {  	s15 =	sadd.s32 $0xFFFFEC80, s20;
	[sflag:s10] =	ssyncset.done @!p0 $0x0  }
0x67: {  	s17 =	sadd.s32 $0x1400, s15;
	[sflag:s10] =	ssyncadd.s32 @!p0 $0xFFFFFF00  }
0x68: {  	[tilespmem:s5], [sflag:$0x3] =	stream.linear.gather [hbm4b:s17+s5], $0x200, $0x38;
	[tilespmem:$0x1EA00] =	vst v63  }
0x69: {  	_ =	swait.ge [sflag:s0], $0x4000  }
0x6a: {  	[sflag:s0] =	ssyncset.done $0x0  }
0x6b: {  	[sflag:s0] =	ssyncadd.s32 $0xFFFFC000  }
0x6c: {  	_ =	swait.ge [sflag:s26], $0x200  }
0x6d: {  	[sflag:s26] =	ssyncset.done $0x0  }
0x6e: {  	[sflag:s26] =	ssyncadd.s32 $0xFFFFFE00  }
0x6f: {  	[tilespmem:s29], [sflag:$0x1] =	stream.indirect.gather [spmem:s2], $0x40, s5, s28, $0xb8;
	[tilespmem:$0x1EA00] =	vst v63  }
0x70: {  	_ = 	snop  }
0x71: {  	[spmem:s3] =	stream.indirect.scatter.add.f32 [tilespmem:s1], [sflag:$0x5], $0x40, s6, s28, $0xb8;
	[tilespmem:$0x1EA00] =	vst v63  }
0x72: {  	_ =	swait.ge [sflag:s22], $0x4000  }
0x73: {  	[sflag:s22] =	ssyncset.done $0x0  }
0x74: {  	s8 =	simm.s32 @!p0 $0x300;
	[sflag:s22] =	ssyncadd.s32 $0xFFFFC000  }
0x75: {  	[spmem:s4] =	stream.indirect.scatter.add.f32 @!p0 [tilespmem:s13], [sflag:$0x5], $0x1, s8, s12, $0xb8;
	[tilespmem:$0x1EA00] =	vst v63  }
0x76: {  	_ =	swait.ge @!p0 [sflag:s10], $0x100  }
0x77: {  	[sflag:s10] =	ssyncset.done @!p0 $0x0  }
0x78: {  	s14 =	simm.s32 $0xFFFFED00;
	s15 =	sadd.s32 $0x1440, s15;
	[sflag:s10] =	ssyncadd.s32 @!p0 $0xFFFFFF00  }
.LBB2_2:
0x79: {  	[tilespmem:s24], [sflag:$0x4] =	stream.linear.gather [hbm4b:s15+s5], $0x200, $0x38;
	[tilespmem:$0x1EA00] =	vst v63  }
0x7a: {  	s15 =	smov.u32 s14;
	s14 =	sadd.s32 $0x80, s14;
	_ =	swait.ge [sflag:s30], $0x4000  }
0x7b: {  	p1 =	sne.s32 s14, $0x0;
	[sflag:s30] =	ssyncset.done $0x0  }
0x7c: {  	[sflag:s30] =	ssyncadd.s32 $0xFFFFC000  }
0x7d: {  	_ =	swait.ge [sflag:s31], $0x200  }
0x7e: {  	[sflag:s31] =	ssyncset.done $0x0  }
0x7f: {  	[sflag:s31] =	ssyncadd.s32 $0xFFFFFE00  }
0x80: {  	[tilespmem:s1], [sflag:$0x2] =	stream.indirect.gather [spmem:s2], $0x40, s24, s28, $0xb8;
	[tilespmem:$0x1EA00] =	vst v63  }
0x81: {  	_ = 	snop  }
0x82: {  	[spmem:s3] =	stream.indirect.scatter.add.f32 [tilespmem:s29], [sflag:$0x5], $0x40, s28, s28, $0xb8;
	[tilespmem:$0x1EA00] =	vst v63  }
0x83: {  	_ =	swait.ge [sflag:s22], $0x4000  }
0x84: {  	[sflag:s22] =	ssyncset.done $0x0  }
0x85: {  	[sflag:s22] =	ssyncadd.s32 $0xFFFFC000  }
0x86: {  	[spmem:s4] =	stream.indirect.scatter.add.f32 @!p0 [tilespmem:s13], [sflag:$0x5], $0x1, s12, s12, $0xb8;
	[tilespmem:$0x1EA00] =	vst v63  }
0x87: {  	_ =	swait.ge @!p0 [sflag:s10], $0x100  }
0x88: {  	s15 =	sadd.s32 s15, s20;
	[sflag:s10] =	ssyncset.done @!p0 $0x0  }
0x89: {  	s17 =	sadd.s32 $0x1400, s15;
	[sflag:s10] =	ssyncadd.s32 @!p0 $0xFFFFFF00  }
0x8a: {  	[tilespmem:s5], [sflag:$0x3] =	stream.linear.gather [hbm4b:s17+s5], $0x200, $0x38;
	[tilespmem:$0x1EA00] =	vst v63  }
0x8b: {  	_ =	swait.ge [sflag:s0], $0x4000  }
0x8c: {  	[sflag:s0] =	ssyncset.done $0x0  }
0x8d: {  	[sflag:s0] =	ssyncadd.s32 $0xFFFFC000  }
0x8e: {  	_ =	swait.ge [sflag:s26], $0x200  }
0x8f: {  	[sflag:s26] =	ssyncset.done $0x0  }
0x90: {  	[sflag:s26] =	ssyncadd.s32 $0xFFFFFE00  }
0x91: {  	[tilespmem:s29], [sflag:$0x1] =	stream.indirect.gather [spmem:s2], $0x40, s5, s28, $0xb8;
	[tilespmem:$0x1EA00] =	vst v63  }
0x92: {  	_ = 	snop  }
0x93: {  	[spmem:s3] =	stream.indirect.scatter.add.f32 [tilespmem:s1], [sflag:$0x5], $0x40, s6, s28, $0xb8;
	[tilespmem:$0x1EA00] =	vst v63  }
0x94: {  	_ =	swait.ge [sflag:s22], $0x4000  }
0x95: {  	[sflag:s22] =	ssyncset.done $0x0  }
.Ltmp0:
0x96: {  	[sflag:s22] =	ssyncadd.s32 $0xFFFFC000;
	(pc) =	sbr.rel @p1 .LBB2_2-.Ltmp0, $4  }
0x97: {  	[spmem:s4] =	stream.indirect.scatter.add.f32 @!p0 [tilespmem:s13], [sflag:$0x5], $0x1, s8, s12, $0xb8;
	[tilespmem:$0x1EA00] =	vst v63  }
0x98: {  	_ =	swait.ge @!p0 [sflag:s10], $0x100  }
0x99: {  	[sflag:s10] =	ssyncset.done @!p0 $0x0  }
0x9a: {  	s15 =	sadd.s32 $0x1440, s15;
	[sflag:s10] =	ssyncadd.s32 @!p0 $0xFFFFFF00  }
0x9b: {  	[tilespmem:s24], [sflag:$0x4] =	stream.linear.gather [hbm4b:s15+s5], $0x200, $0x38;
	[tilespmem:$0x1EA00] =	vst v63  }
0x9c: {  	_ =	swait.ge [sflag:s30], $0x4000  }
0x9d: {  	[sflag:s30] =	ssyncset.done $0x0  }
0x9e: {  	[sflag:s30] =	ssyncadd.s32 $0xFFFFC000  }
0x9f: {  	_ =	swait.ge [sflag:s31], $0x200  }
0xa0: {  	[sflag:s31] =	ssyncset.done $0x0  }
0xa1: {  	[sflag:s31] =	ssyncadd.s32 $0xFFFFFE00  }
0xa2: {  	[tilespmem:s1], [sflag:$0x2] =	stream.indirect.gather [spmem:s2], $0x40, s24, s28, $0xb8;
	[tilespmem:$0x1EA00] =	vst v63  }
0xa3: {  	_ = 	snop  }
0xa4: {  	[spmem:s3] =	stream.indirect.scatter.add.f32 [tilespmem:s29], [sflag:$0x5], $0x40, s28, s28, $0xb8;
	[tilespmem:$0x1EA00] =	vst v63  }
0xa5: {  	_ =	swait.ge [sflag:s22], $0x4000  }
0xa6: {  	[sflag:s22] =	ssyncset.done $0x0  }
0xa7: {  	s14 =	simm.s32 @p0 $0x2;
	[sflag:s22] =	ssyncadd.s32 $0xFFFFC000  }
0xa8: {  	_ =	swait.ge @p0 [sflag:s14], $0x4000  }
0xa9: {  	s15 =	simm.s32 @p0 $0x300;
	[sflag:s14] =	ssyncset.done @p0 $0x0  }
0xaa: {  	s17 =	simm.s32 @p0 $0x4400;
	[sflag:s14] =	ssyncadd.s32 @p0 $0xFFFFC000;
	s14 =	simm.s32 @p0 $0x100  }
0xab: {  	[spmem:s3] =	stream.indirect.scatter.add.f32 @p0 [tilespmem:s17], [sflag:$0x5], $0x40, s15, s14, $0xb8;
	[tilespmem:$0x1EA00] =	vst v63  }
0xac: {  	s14 =	simm.s32 @p0 $0x5  }
0xad: {  	_ =	swait.ge @p0 [sflag:s14], $0x4000  }
0xae: {  	[sflag:s14] =	ssyncset.done @p0 $0x0  }
0xaf: {  	[sflag:s14] =	ssyncadd.s32 @p0 $0xFFFFC000  }
0xb0: {  	[spmem:s4] =	stream.indirect.scatter.add.f32 @!p0 [tilespmem:s13], [sflag:$0x5], $0x1, s12, s12, $0xb8;
	[tilespmem:$0x1EA00] =	vst v63  }
0xb1: {  	_ =	swait.ge @!p0 [sflag:s10], $0x100  }
0xb2: {  	[sflag:s10] =	ssyncset.done @!p0 $0x0  }
0xb3: {  	s14 =	simm.s32 @!p0 $0x2;
	[sflag:s10] =	ssyncadd.s32 @!p0 $0xFFFFFF00  }
0xb4: {  	_ =	swait.ge @!p0 [sflag:s14], $0x4000  }
0xb5: {  	[sflag:s14] =	ssyncset.done @!p0 $0x0  }
0xb6: {  	[sflag:s14] =	ssyncadd.s32 @!p0 $0xFFFFC000;
	s14 =	simm.s32 @!p0 $0x4400  }
0xb7: {  	[spmem:s3] =	stream.indirect.scatter.add.f32 @!p0 [tilespmem:s14], [sflag:$0x5], $0x40, s8, s12, $0xb8;
	[tilespmem:$0x1EA00] =	vst v63  }
0xb8: {  	_ =	swait.ge @!p0 [sflag:s10], $0x4000  }
0xb9: {  	[sflag:s10] =	ssyncset.done @!p0 $0x0  }
0xba: {  	[sflag:s10] =	ssyncadd.s32 @!p0 $0xFFFFC000  }
0xbb: {  	[spmem:s4] =	stream.indirect.scatter.add.f32 @!p0 [tilespmem:s13], [sflag:$0x5], $0x1, s8, s12, $0xb8;
	[tilespmem:$0x1EA00] =	vst v63  }
0xbc: {  	_ =	swait.ge @!p0 [sflag:s10], $0x100  }
0xbd: {  	[sflag:s10] =	ssyncset.done @!p0 $0x0  }
0xbe: {  	[sflag:s10] =	ssyncadd.s32 @!p0 $0xFFFFFF00  }
0xbf: {  	[bflag:$0x0] =	sbarrier.arrive $0xFFFF  }
0xc0: {  	s15 =	sshrl.u32 s11, $0x3;
	s17 =	rddreg [dreg:$0xf]  }
0xc1: {  	[hbm:s17], [sflag:s9] =	dma.local [spmem:s15], $0x1400  }
0xc2: {  	s7 =	sadd.s32 $0x1, s7;
	_ =	swait.ge [sflag:s22], $0x1400  }
0xc3: {  	p1 =	sne.s32 s7, s19;
	[sflag:s22] =	ssyncset.done $0x0  }
.Ltmp1:
0xc4: {  	s8 =	sshrl.u32 @!p0 s16, $0x3;
	[sflag:s22] =	ssyncadd.s32 $0xFFFFEC00;
	(pc) =	sbr.rel @p1 .LBB2_1-.Ltmp1, $4  }
0xc5: {  	[hbm:s18], [sflag:s9] =	dma.local @!p0 [spmem:s8], $0x50  }
0xc6: {  	_ =	swait.ge @!p0 [sflag:s10], $0x50  }
0xc7: {  	[sflag:s10] =	ssyncset.done @!p0 $0x0  }
0xc8: {  	[sflag:s10] =	ssyncadd.s32 @!p0 $0xFFFFFFB0  }
0xc9: {  	_ =	sfence.sel $0x180000  }
0xca: {  	[bflag:$0x0] =	sbarrier.arrive $0xFFFF  }
0xcb: {  	_ =	strace $0x90000047  }
0xcc: {  	s0 =	stileid.u32;
	[bflag:$0x2] =	sbarrier.arrive $0xFFFF  }
0xcd: {  	p0 =	sne.s32 s0, $0x0;
	s0 =	rddreg [dreg:$0x5]  }
0xce: {  	s0 =	sadd.s32 @!p0 $0x100000, s0  }
0xcf: {  	[sflag:s0] =	ssyncadd.tile.s32 @!p0 $0x1;
	_ =	shalt  }
.Lfunc_end2:
_tile_overlayer_lowered:
.L_overlay_start_2:
0xd0: {  	(tag) =	ssettag $0x2  }
0xd1: {  	s0 =	rddreg [dreg:$0x0];
	s2 =	stileid.u32  }
0xd2: {  	s1 =	rddreg [dreg:$0x1];
	p0 =	sne.s32 s2, $0x0  }
0xd3: {  	s3 =	rddreg [dreg:$0x2];
	[bflag:$0x3] =	sbarrier.arrive $0xFFFF;
	s2 =	simm.s32 @!p0 $0x1C05  }
0xd4: {  	[timem:s3], [sflag:s2] =	dma.local @!p0 [hbm:s0], s1  }
0xd5: {  	s0 =	simm.s32 @!p0 $0x5  }
0xd6: {  	_ =	swait.ge @!p0 [sflag:s0], s1  }
0xd7: {  	s1 =	ssub.s32 @!p0 $0x0, s1;
	[sflag:s0] =	ssyncset.done @!p0 $0x0  }
0xd8: {  	[sflag:s0] =	ssyncadd.s32 @!p0 s1  }
0xd9: {  	[bflag:$0x3] =	sbarrier.arrive $0xFFFF  }
0xda: {  	_ =	shalt  }

// kernel: kernel.9.cloned.1.call-start
scs
__scs_entry_jumppad:
0x0: {  	(pc) =	sbr.rel $0x88, $3  }
0x1: {  	(tag) =	ssettag $0x0;
	lr =	simm.s32 $0x1  }
0x2: {  	[smem:$0x3F99] =	sst lr;
	_ =	strace $0xD0000000  }
0x3: {  	_ = 	snop  }
0x4: {  	_ = 	snop  }
0x5: {  	_ = 	snop  }
0x6: {  	_ = 	snop  }
0x7: {  	_ = 	snop  }
__scs_overlays_trampoline_lowered:
0x8: {  	[smem:$0x3FA8] =	sst s0  }
0x9: {  	[smem:$0x3FA9] =	sst s1  }
0xa: {  	[smem:$0x3FAA] =	sst s2  }
0xb: {  	[smem:$0x3FAB] =	sst s3  }
0xc: {  	[smem:$0x3FAC] =	sst s4  }
0xd: {  	[smem:$0x3FAD] =	sst s5  }
0xe: {  	[smem:$0x3FAE] =	sst s6  }
0xf: {  	[smem:$0x3FAF] =	sst s7  }
0x10: {  	[smem:$0x3FB0] =	sst s8  }
0x11: {  	[smem:$0x3FB1] =	sst s9;
	s0 =	simm.s32 @!p0 $0x0  }
0x12: {  	s1 =	sld [smem:$0x3F97];
	s0 =	simm.s32 @p0 $0x1  }
0x13: {  	[smem:$0x3FB2] =	sst s0;
	s0 =	simm.s32 @!p1 $0x0  }
0x14: {  	s2 =	sld [smem:$0x3F96];
	s0 =	simm.s32 @p1 $0x1  }
0x15: {  	[smem:$0x3FB3] =	sst s0;
	s0 =	simm.s32 @!p2 $0x0  }
0x16: {  	s3 =	sld [smem:$0x3FDB];
	s0 =	simm.s32 @p2 $0x1  }
0x17: {  	s4 =	simm.s32 $0x1BF5;
	[smem:$0x3FB5] =	sst s0  }
0x18: {  	s0 =	sld [smem:$0x3F98];
	_ =	swait.ge [sflag:s4], $0x0  }
0x19: {  	s7 =	sld [smem:$0x3F99]  }
0x1a: {  	s8 =	sadd.s32 $0xFFFFE003, lr  }
0x1b: {  	s9 =	sadd.s32 $0xFFFFFEF7, lr;
	s5 =	simm.s32 $0xFFFFFFFF;
	p2 =	slt.u32 s8, $0xFFFFF086  }
0x1c: {  	p1 =	slt.u32 s9, $0xF7A;
	s5 =	simm.s32 @!p2 $0x0  }
0x1d: {  	s5 =	simm.s32 @p1 $0x1;
	p0 =	seq.s32 s7, s2  }
0x1e: {  	s7 =	smul.u32 @!p0 $0xF7A, s2;
	p2 =	seq.s32 @!p0 s5, $0x0  }
0x1f: {  	s9 =	smul.u32 $0xF7A, s1;
	s8 =	simm.s32 @!p0 $0x1BF5;
	p2 =	por !p2, p0  }
0x20: {  	[sflag:s8] =	ssyncset.s32 @!p0 $0xFFFFF086;
	s6 =	sadd.s32 @!p0 s3, s7;
	s7 =	simm.s32 @!p0 $0x108  }
0x21: {  	s3 =	sadd.s32 s3, s9;
	s6 =	sadd.s32 @!p0 $0x88, s6;
	s7 =	simm.s32 @p2 $0x1082  }
0x22: {  	[simem:s7], [sflag:s8] =	dma.local @!p0 [hbm:s6], $0xF7A  }
0x23: {  	s9 =	sor.u32 $0xD0000000, s2;
	s6 =	simm.s32 $0x108;
	_ =	swait.ge @!p0 [sflag:s8], $0x0  }
0x24: {  	s3 =	sadd.s32 $0x88, s3;
	s6 =	simm.s32 @!p1 $0x1082;
	[sflag:s4] =	ssyncset.s32 $0xFFFFF086  }
0x25: {  	[simem:s6], [sflag:s4] =	dma.local [hbm:s3], $0xF7A  }
0x26: {  	[smem:$0x3F99] =	sst s1;
	(tag) =	ssettag s2;
	_ =	strace s9  }
0x27: {  	s1 =	sld [smem:$0x3FA9]  }
0x28: {  	s2 =	sld [smem:$0x3FAA]  }
0x29: {  	s4 =	sld [smem:$0x3FAC]  }
0x2a: {  	p0 =	seq.s32 s5, $0x0;
	s5 =	sld [smem:$0x3FAD]  }
0x2b: {  	s6 =	sld [smem:$0x3FAE]  }
0x2c: {  	s7 =	sld [smem:$0x3FAF]  }
0x2d: {  	s3 =	simm.s32 $0x108;
	s8 =	sld [smem:$0x3FB0]  }
0x2e: {  	s3 =	simm.s32 @!p0 $0x1082;
	s9 =	sld [smem:$0x3FB1]  }
0x2f: {  	lr =	sadd.s32 s0, s3;
	s0 =	sld [smem:$0x3FA8]  }
0x30: {  	s3 =	sld [smem:$0x3FAB]  }
0x31: {  	[smem:$0x3FB4] =	sst s10  }
0x32: {  	s10 =	sld [smem:$0x3FB2];
	_ =	sdelay $0x3  }
0x33: {  	p0 =	seq.s32 s10, $0x1;
	s10 =	sld [smem:$0x3FB4];
	_ =	sdelay $0x3  }
0x34: {  	[smem:$0x3FB4] =	sst s10  }
0x35: {  	s10 =	sld [smem:$0x3FB3];
	_ =	sdelay $0x3  }
0x36: {  	p1 =	seq.s32 s10, $0x1;
	s10 =	sld [smem:$0x3FB4];
	_ =	sdelay $0x3  }
0x37: {  	[smem:$0x3FB4] =	sst s10  }
0x38: {  	s10 =	sld [smem:$0x3FB5]  }
0x39: {  	_ = 	snop;
	(pc) =	sbr.ind lr, $3  }
0x3a: {  	_ = 	snop  }
0x3b: {  	_ = 	snop  }
0x3c: {  	p2 =	seq.s32 s10, $0x1;
	s10 =	sld [smem:$0x3FB4]  }
0x3d: {  	_ =	shalt  }
0x3e: {  	_ =	shalt  }
0x3f: {  	_ =	shalt  }
0x40: {  	_ =	shalt  }
0x41: {  	_ =	shalt  }
0x42: {  	_ =	shalt  }
0x43: {  	_ =	shalt  }
0x44: {  	_ =	shalt  }
0x45: {  	_ =	shalt  }
0x46: {  	_ =	shalt  }
0x47: {  	_ =	shalt  }
0x48: {  	_ =	shalt  }
0x49: {  	_ =	shalt  }
0x4a: {  	_ =	shalt  }
0x4b: {  	_ =	shalt  }
0x4c: {  	_ =	shalt  }
0x4d: {  	_ =	shalt  }
0x4e: {  	_ =	shalt  }
0x4f: {  	_ =	shalt  }
0x50: {  	_ =	shalt  }
0x51: {  	_ =	shalt  }
0x52: {  	_ =	shalt  }
0x53: {  	_ =	shalt  }
0x54: {  	_ =	shalt  }
0x55: {  	_ =	shalt  }
0x56: {  	_ =	shalt  }
0x57: {  	_ =	shalt  }
0x58: {  	_ =	shalt  }
0x59: {  	_ =	shalt  }
0x5a: {  	_ =	shalt  }
0x5b: {  	_ =	shalt  }
0x5c: {  	_ =	shalt  }
0x5d: {  	_ =	shalt  }
0x5e: {  	_ =	shalt  }
0x5f: {  	_ =	shalt  }
0x60: {  	_ =	shalt  }
0x61: {  	_ =	shalt  }
0x62: {  	_ =	shalt  }
0x63: {  	_ =	shalt  }
0x64: {  	_ =	shalt  }
0x65: {  	_ =	shalt  }
0x66: {  	_ =	shalt  }
0x67: {  	_ =	shalt  }
0x68: {  	_ =	shalt  }
0x69: {  	_ =	shalt  }
0x6a: {  	_ =	shalt  }
0x6b: {  	_ =	shalt  }
0x6c: {  	_ =	shalt  }
0x6d: {  	_ =	shalt  }
0x6e: {  	_ =	shalt  }
0x6f: {  	_ =	shalt  }
0x70: {  	_ =	shalt  }
0x71: {  	_ =	shalt  }
0x72: {  	_ =	shalt  }
0x73: {  	_ =	shalt  }
0x74: {  	_ =	shalt  }
0x75: {  	_ =	shalt  }
0x76: {  	_ =	shalt  }
0x77: {  	_ =	shalt  }
0x78: {  	_ =	shalt  }
0x79: {  	_ =	shalt  }
0x7a: {  	_ =	shalt  }
0x7b: {  	_ =	shalt  }
0x7c: {  	_ =	shalt  }
0x7d: {  	_ =	shalt  }
0x7e: {  	_ =	shalt  }
0x7f: {  	_ =	shalt  }
0x80: {  	_ =	shalt  }
0x81: {  	_ =	shalt  }
0x82: {  	_ =	shalt  }
0x83: {  	_ =	shalt  }
0x84: {  	_ =	shalt  }
0x85: {  	_ =	shalt  }
0x86: {  	_ =	shalt  }
0x87: {  	_ =	shalt  }
.Lfunc_end0:
.L_simem_size_0:
called_computation.1_lowered:
.L_overlay_start_0:
0x88: {  	s2 =	sld [smem:$0x3FD9]  }
0x89: {  	s3 =	sld [smem:$0x3FFE];
	_ =	sdelay $0x1  }
0x8a: {  	s1 =	srdreg.scid  }
0x8b: {  	s0 =	sand.u32 $0x1, s1  }
0x8c: {  	s17 =	sshll.u32 s0, $0xA;
	s2 =	sadd.s32 s3, s2  }
0x8d: {  	s2 =	sadd.s32 s2, s17  }
0x8e: {  	[smem:$0x3FC0] =	sst s2  }
0x8f: {  	_ = 	snop  }
0x90: {  	s2 =	sld [smem:$0x3FD0];
	(tm) =	ssettm $0x1  }
0x91: {  	s18 =	sld [smem:$0x3FFB];
	_ =	sdelay $0x3  }
0x92: {  	_ =	strace s18  }
0x93: {  	s3 =	sld [smem:$0x3FFC];
	_ =	sdelay $0x3  }
0x94: {  	_ =	strace s3  }
0x95: {  	s3 =	sld [smem:$0x3FFD];
	_ =	sdelay $0x3  }
0x96: {  	_ =	strace s3  }
0x97: {  	_ =	strace $0x8FFFFFFF  }
0x98: {  	s19 =	sld [smem:$0x3FDB];
	_ =	sdelay $0x1  }
0x99: {  	s4 =	simm.s32 $_scs_section_size  }
0x9a: {  	s5 =	simm.s32 $_size__tile_overlayer_lowered;
	s6 =	simm.s32 $_tile_overlayer_lowered  }
0x9b: {  	s22 =	simm.s32 $0x1BFF;
	s21 =	sshll.u32 s6, $0x1;
	s3 =	sadd.s32 s4, s19  }
0x9c: {  	s7 =	simm.s32 $0x0;
	s20 =	sshll.u32 s5, $0x1;
	s5 =	sadd.s32 s21, s3  }
0x9d: {  	[timem:s7], [sflag:s22] =	dma.local [hbm:s5], s20  }
0x9e: {  	_ =	swait.ge [sflag:s22], s20  }
0x9f: {  	s4 =	ssub.s32 $0x0, s20;
	[sflag:s22] =	ssyncset.done $0x0  }
0xa0: {  	[sflag:s22] =	ssyncadd.s32 s4;
	_ =	sdelay $0x1  }
0xa1: {  	s23 =	simm.s32 $0x1B8B  }
0xa2: {  	_ =	swait.ge [sflag:s23], $0x1  }
0xa3: {  	[sflag:s23] =	ssyncset.done $0x0  }
0xa4: {  	s25 =	simm.s32 $0x1B8E;
	s24 =	sld [smem:$0x3FFE];
	[sflag:s23] =	ssyncadd.s32 $0xFFFFFFFF  }
0xa5: {  	s26 =	simm.s32 $execute0_lowered;
	[smem:$0x3FD2] =	sst s25  }
0xa6: {  	s5 =	sshll.u32 s26, $0x1;
	_ =	strace $0x80000049;
	[dreg:$0x1] =	wrdreg $0xFFFFFFFF  }
0xa7: {  	s28 =	simm.s32 $_size_execute0_lowered;
	s3 =	sadd.s32 s3, s5;
	[dreg:$0x0] =	wrdreg $0x0  }
0xa8: {  	s5 =	sshll.u32 s28, $0x1;
	[dreg:$0x2] =	wrdreg s3  }
0xa9: {  	[dreg:$0x3] =	wrdreg s5  }
0xaa: {  	[dreg:$0x4] =	wrdreg $0xC0  }
0xab: {  	_ =	task [dreg:s7], $0x5FFFF  }
0xac: {  	[dreg:$0x1] =	wrdreg $0xFFFFFFFF  }
0xad: {  	[dreg:$0x0] =	wrdreg $0x60  }
0xae: {  	[dreg:$0x2] =	wrdreg s24  }
0xaf: {  	[dreg:$0x3] =	wrdreg s2  }
0xb0: {  	[dreg:$0x4] =	wrdreg $0xA6800  }
0xb1: {  	[dreg:$0x5] =	wrdreg $0x146800  }
0xb2: {  	[dreg:$0x6] =	wrdreg $0x9  }
0xb3: {  	_ =	task.clear_ibuf [dreg:s7], $0x7FFFF;
	_ =	strace $0x90000049  }
0xb4: {  	s29 =	simm.s32 $0x9;
	_ =	strace $0x8000004B  }
0xb5: {  	_ =	swait.ge [sflag:s29], $0x1  }
0xb6: {  	[sflag:s29] =	ssyncadd.s32 $0xFFFFFFFF  }
0xb7: {  	_ =	strace $0x9000004B  }
0xb8: {  	_ =	sfence  }
0xb9: {  	s30 =	sld [smem:$0x0];
	_ =	sdelay $0x2  }
0xba: {  	s31 =	sshll.u32 s1, $0xD;
	s1 =	sshrl.u32 s1, $0x2  }
0xbb: {  	s3 =	sand.u32 $0x4000, s31;
	s1 =	sadd.s32 s1, s30  }
0xbc: {  	s0 =	sor.u32 s3, s0;
	s1 =	sshll.u32 s1, $0x11  }
0xbd: {  	s0 =	sor.u32 s1, s0  }
0xbe: {  	s0 =	sadd.s32 $0x8F2B, s0  }
0xbf: {  	[sflag:s0] =	ssyncadd.remote.s32 $0x1  }
0xc0: {  	_ =	sfence.sel $0xFFFF  }
0xc1: {  	[dreg:$0x0] =	wrdreg $0xFFFFFFFF;
	(pc) =	sbr.abs _section_cstart, $3  }
0xc2: {  	[dreg:$0x1] =	wrdreg $0xFFFFFFFF  }
0xc3: {  	_ =	task.clear_ibuf [dreg:s7], $0x2FFFF;
	_ =	strace $0x9FFFFFFF  }
0xc4: {  	(tm) =	ssettm $0x7FFFFFFF  }
0xc5: {  	_ =	shalt  }
tec
execute0_lowered:
.L_overlay_start_1:
0x0: {  	(tag) =	ssettag $0x1  }
0x1: {  	s0 =	rddreg [dreg:$0x0]  }
0x2: {  	s5 =	rddreg [dreg:$0x1]  }
0x3: {  	s1 =	srdreg.scid;
	s2 =	rddreg [dreg:$0x2]  }
0x4: {  	s21 =	stileid.u32;
	s3 =	rddreg [dreg:$0x3]  }
0x5: {  	s4 =	simm.s32 $0x0;
	s18 =	simm.s32 $0x8400;
	s19 =	simm.s32 $0x5  }
0x6: {  	s28 =	simm.s32 $0x1;
	s29 =	simm.s32 $0x4;
	s30 =	simm.s32 $0x4400  }
0x7: {  	s31 =	simm.s32 $0x2;
	s1 =	sand.u32 $0x1, s1;
	s17 =	smul.u32 $0x1400, s21  }
0x8: {  	s10 =	smul.u32 $0xA000, s21;
	[smem:$0x7FF] =	sst s4;
	s24 =	sadd.s32 $0x2A000, s0  }
0x9: {  	s25 =	sadd.s32 $0x29E00, s0;
	s11 =	smul.u32 $0x28000, s21;
	s26 =	sshll.u32 s21, $0x6  }
0xa: {  	s6 =	smul.u32 $0x14000, s1;
	_ =	strace $0x8000004A;
	[dreg:$0x5] =	wrdreg s24  }
0xb: {  	s21 =	simm.s32 $0x200;
	s7 =	smul.u32 $0xA0000, s1;
	[dreg:$0x6] =	wrdreg s25  }
0xc: {  	s1 =	ssub.s32 $0x2, s1;
	s22 =	sor.u32 $0x1C05, s26;
	s24 =	simm.s32 $0x3  }
0xd: {  	s25 =	simm.s32 $0x100;
	s26 =	simm.s32 $0x400;
	s8 =	sshrl.u32 s10, $0x3  }
0xe: {  	s12 =	sshrl.u32 s1, $0x1;
	s11 =	sshrl.u32 s11, $0x2;
	s20 =	sadd.s32 s10, s2  }
0xf: {  	s6 =	sadd.s32 s17, s6;
	s7 =	sadd.s32 s10, s7;
	s1 =	ssub.s32 s1, s12  }
0x10: {  	s14 =	sadd.s32 s11, s3;
	s10 =	sadd.s32 s10, s3;
	s17 =	sadd.s32 s17, s5  }
0x11: {  	s23 =	sshrl.u32 s20, $0x3;
	s9 =	sadd.s32 s6, s0;
	s7 =	sshrl.u32 s7, $0x3  }
0x12: {  	s11 =	sadd.s32 $0x2000, s14;
	s12 =	sadd.s32 $0x4000, s14;
	s13 =	sadd.s32 $0x6000, s14  }
0x13: {  	s14 =	sadd.s32 $0x8000, s14;
	s16 =	smax.u32 s1, $0x1;
	s1 =	simm.s32 $0x300  }
0x14: {  	s0 =	sadd.s32 s7, s0;
	s7 =	sadd.s32 s5, s8;
	s9 =	sadd.s32 $0x1E00, s9  }
0x15: {  	s8 =	sadd.s32 $0x40, s7;
	s15 =	sadd.s32 $0x7A400, s0;
	s0 =	simm.s32 $0x0  }
.LBB2_1:
0x16: {  	s5 =	rddreg [dreg:$0x5]  }
0x17: {  	[tilespmem:s18], [sflag:$0x5] =	stream.linear.gather [hbm4b:s5+s4], $0x2000, $0x38;
	[tilespmem:$0x1E680] =	vst v63  }
0x18: {  	_ =	swait.ge [sflag:s19], $0x2000  }
0x19: {  	[sflag:s19] =	ssyncset.done $0x0  }
0x1a: {  	s6 =	simm.s32 $0xA400;
	s20 =	rddreg [dreg:$0x6];
	[sflag:s19] =	ssyncadd.s32 $0xFFFFE000  }
0x1b: {  	[tilespmem:s6], [sflag:$0x5] =	stream.linear.gather [hbm4b:s20+s4], $0x280, $0x38;
	[tilespmem:$0x1E680] =	vst v63  }
0x1c: {  	_ =	swait.ge [sflag:s19], $0x280  }
0x1d: {  	[sflag:s19] =	ssyncset.done $0x0  }
0x1e: {  	[sflag:s19] =	ssyncadd.s32 $0xFFFFFD80  }
0x1f: {  	[tilespmem:s4], [sflag:$0x3] =	stream.linear.gather [hbm4b:s7+s4], $0x200, $0x38;
	[tilespmem:$0x1E680] =	vst v63  }
0x20: {  	_ = 	snop  }
0x21: {  	[tilespmem:s21], [sflag:$0x4] =	stream.linear.gather [hbm4b:s8+s4], $0x200, $0x38;
	[tilespmem:$0x1E680] =	vst v63  }
0x22: {  	[spmem:s23], [sflag:s22] =	dma.local [hbm:s9], $0x1400  }
0x23: {  	_ =	swait.ge [sflag:s19], $0x1400  }
0x24: {  	[sflag:s19] =	ssyncset.done $0x0  }
0x25: {  	[sflag:s19] =	ssyncadd.s32 $0xFFFFEC00  }
0x26: {  	[spmem:s10] =	stream.linear.scatter [tilespmem:s18], [sflag:$0x5], $0x2000, $0x38;
	[tilespmem:$0x1E680] =	vst v63  }
0x27: {  	_ =	swait.ge [sflag:s19], $0x2000  }
0x28: {  	[sflag:s19] =	ssyncset.done $0x0  }
0x29: {  	[sflag:s19] =	ssyncadd.s32 $0xFFFFE000  }
0x2a: {  	[spmem:s11] =	stream.linear.scatter [tilespmem:s18], [sflag:$0x5], $0x2000, $0x38;
	[tilespmem:$0x1E680] =	vst v63  }
0x2b: {  	_ =	swait.ge [sflag:s19], $0x2000  }
0x2c: {  	[sflag:s19] =	ssyncset.done $0x0  }
0x2d: {  	[sflag:s19] =	ssyncadd.s32 $0xFFFFE000  }
0x2e: {  	[spmem:s12] =	stream.linear.scatter [tilespmem:s18], [sflag:$0x5], $0x2000, $0x38;
	[tilespmem:$0x1E680] =	vst v63  }
0x2f: {  	_ =	swait.ge [sflag:s19], $0x2000  }
0x30: {  	[sflag:s19] =	ssyncset.done $0x0  }
0x31: {  	[sflag:s19] =	ssyncadd.s32 $0xFFFFE000  }
0x32: {  	[spmem:s13] =	stream.linear.scatter [tilespmem:s18], [sflag:$0x5], $0x2000, $0x38;
	[tilespmem:$0x1E680] =	vst v63  }
0x33: {  	_ =	swait.ge [sflag:s19], $0x2000  }
0x34: {  	[sflag:s19] =	ssyncset.done $0x0  }
0x35: {  	[sflag:s19] =	ssyncadd.s32 $0xFFFFE000  }
0x36: {  	[spmem:s14] =	stream.linear.scatter [tilespmem:s18], [sflag:$0x5], $0x2000, $0x38;
	[tilespmem:$0x1E680] =	vst v63  }
0x37: {  	_ =	swait.ge [sflag:s19], $0x2000  }
0x38: {  	[sflag:s19] =	ssyncset.done $0x0  }
0x39: {  	[sflag:s19] =	ssyncadd.s32 $0xFFFFE000  }
0x3a: {  	[bflag:$0x0] =	sbarrier.arrive $0xFFFF  }
0x3b: {  	_ =	swait.ge [sflag:s24], $0x200  }
0x3c: {  	[sflag:s24] =	ssyncset.done $0x0  }
0x3d: {  	[sflag:s24] =	ssyncadd.s32 $0xFFFFFE00  }
0x3e: {  	[tilespmem:s26], [sflag:$0x1] =	stream.indirect.gather [spmem:s2], $0x40, s4, s25, $0xb8;
	[tilespmem:$0x1E680] =	vst v63  }
0x3f: {  	_ =	swait.ge [sflag:s28], $0x4000  }
0x40: {  	[sflag:s28] =	ssyncset.done $0x0  }
0x41: {  	[sflag:s28] =	ssyncadd.s32 $0xFFFFC000  }
0x42: {  	_ =	swait.ge [sflag:s29], $0x200  }
0x43: {  	[sflag:s29] =	ssyncset.done $0x0  }
0x44: {  	[sflag:s29] =	ssyncadd.s32 $0xFFFFFE00  }
0x45: {  	[tilespmem:s30], [sflag:$0x2] =	stream.indirect.gather [spmem:s2], $0x40, s21, s25, $0xb8;
	[tilespmem:$0x1E680] =	vst v63  }
0x46: {  	_ = 	snop  }
0x47: {  	[spmem:s3] =	stream.indirect.scatter.add.f32 [tilespmem:s26], [sflag:$0x5], $0x40, s25, s25, $0xb8;
	[tilespmem:$0x1E680] =	vst v63  }
0x48: {  	_ =	swait.ge [sflag:s19], $0x4000  }
0x49: {  	s6 =	sadd.s32 $0xFFFFEC80, s17;
	[sflag:s19] =	ssyncset.done $0x0  }
0x4a: {  	s20 =	sadd.s32 $0x1400, s6;
	[sflag:s19] =	ssyncadd.s32 $0xFFFFC000  }
0x4b: {  	[tilespmem:s4], [sflag:$0x3] =	stream.linear.gather [hbm4b:s20+s4], $0x200, $0x38;
	[tilespmem:$0x1E680] =	vst v63  }
0x4c: {  	_ =	swait.ge [sflag:s31], $0x4000  }
0x4d: {  	[sflag:s31] =	ssyncset.done $0x0  }
0x4e: {  	[sflag:s31] =	ssyncadd.s32 $0xFFFFC000  }
0x4f: {  	_ =	swait.ge [sflag:s24], $0x200  }
0x50: {  	[sflag:s24] =	ssyncset.done $0x0  }
0x51: {  	[sflag:s24] =	ssyncadd.s32 $0xFFFFFE00  }
0x52: {  	[tilespmem:s26], [sflag:$0x1] =	stream.indirect.gather [spmem:s2], $0x40, s4, s25, $0xb8;
	[tilespmem:$0x1E680] =	vst v63  }
0x53: {  	_ = 	snop  }
0x54: {  	[spmem:s3] =	stream.indirect.scatter.add.f32 [tilespmem:s30], [sflag:$0x5], $0x40, s1, s25, $0xb8;
	[tilespmem:$0x1E680] =	vst v63  }
0x55: {  	_ =	swait.ge [sflag:s19], $0x4000  }
0x56: {  	[sflag:s19] =	ssyncset.done $0x0  }
0x57: {  	s5 =	sadd.s32 $0x1440, s6;
	s20 =	simm.s32 $0xFFFFED00;
	[sflag:s19] =	ssyncadd.s32 $0xFFFFC000  }
.LBB2_2:
0x58: {  	[tilespmem:s21], [sflag:$0x4] =	stream.linear.gather [hbm4b:s5+s4], $0x200, $0x38;
	[tilespmem:$0x1E680] =	vst v63  }
0x59: {  	s5 =	smov.u32 s20  }
0x5a: {  	p0 =	sne.s32 s20, $0xFFFFFF80;
	s20 =	sadd.s32 $0x80, s20;
	_ =	swait.ge [sflag:s28], $0x4000  }
0x5b: {  	[sflag:s28] =	ssyncset.done $0x0  }
0x5c: {  	[sflag:s28] =	ssyncadd.s32 $0xFFFFC000  }
0x5d: {  	_ =	swait.ge [sflag:s29], $0x200  }
0x5e: {  	[sflag:s29] =	ssyncset.done $0x0  }
0x5f: {  	[sflag:s29] =	ssyncadd.s32 $0xFFFFFE00  }
0x60: {  	[tilespmem:s30], [sflag:$0x2] =	stream.indirect.gather [spmem:s2], $0x40, s21, s25, $0xb8;
	[tilespmem:$0x1E680] =	vst v63  }
0x61: {  	_ = 	snop  }
0x62: {  	[spmem:s3] =	stream.indirect.scatter.add.f32 [tilespmem:s26], [sflag:$0x5], $0x40, s25, s25, $0xb8;
	[tilespmem:$0x1E680] =	vst v63  }
0x63: {  	_ =	swait.ge [sflag:s19], $0x4000  }
0x64: {  	s5 =	sadd.s32 s5, s17;
	[sflag:s19] =	ssyncset.done $0x0  }
0x65: {  	s6 =	sadd.s32 $0x1400, s5;
	[sflag:s19] =	ssyncadd.s32 $0xFFFFC000  }
0x66: {  	[tilespmem:s4], [sflag:$0x3] =	stream.linear.gather [hbm4b:s6+s4], $0x200, $0x38;
	[tilespmem:$0x1E680] =	vst v63  }
0x67: {  	_ =	swait.ge [sflag:s31], $0x4000  }
0x68: {  	[sflag:s31] =	ssyncset.done $0x0  }
0x69: {  	[sflag:s31] =	ssyncadd.s32 $0xFFFFC000  }
0x6a: {  	_ =	swait.ge [sflag:s24], $0x200  }
0x6b: {  	[sflag:s24] =	ssyncset.done $0x0  }
0x6c: {  	[sflag:s24] =	ssyncadd.s32 $0xFFFFFE00  }
0x6d: {  	[tilespmem:s26], [sflag:$0x1] =	stream.indirect.gather [spmem:s2], $0x40, s4, s25, $0xb8;
	[tilespmem:$0x1E680] =	vst v63  }
.Ltmp0:
0x6e: {  	(pc) =	sbr.rel @p0 .LBB2_2-.Ltmp0, $4  }
0x6f: {  	[spmem:s3] =	stream.indirect.scatter.add.f32 [tilespmem:s30], [sflag:$0x5], $0x40, s1, s25, $0xb8;
	[tilespmem:$0x1E680] =	vst v63  }
0x70: {  	_ =	swait.ge [sflag:s19], $0x4000  }
0x71: {  	[sflag:s19] =	ssyncset.done $0x0  }
0x72: {  	s5 =	sadd.s32 $0x1440, s5;
	[sflag:s19] =	ssyncadd.s32 $0xFFFFC000  }
0x73: {  	[tilespmem:s21], [sflag:$0x4] =	stream.linear.gather [hbm4b:s5+s4], $0x200, $0x38;
	[tilespmem:$0x1E680] =	vst v63  }
0x74: {  	_ =	swait.ge [sflag:s28], $0x4000  }
0x75: {  	[sflag:s28] =	ssyncset.done $0x0  }
0x76: {  	[sflag:s28] =	ssyncadd.s32 $0xFFFFC000  }
0x77: {  	_ =	swait.ge [sflag:s29], $0x200  }
0x78: {  	[sflag:s29] =	ssyncset.done $0x0  }
0x79: {  	[sflag:s29] =	ssyncadd.s32 $0xFFFFFE00  }
0x7a: {  	[tilespmem:s30], [sflag:$0x2] =	stream.indirect.gather [spmem:s2], $0x40, s21, s25, $0xb8;
	[tilespmem:$0x1E680] =	vst v63  }
0x7b: {  	_ = 	snop  }
0x7c: {  	[spmem:s3] =	stream.indirect.scatter.add.f32 [tilespmem:s26], [sflag:$0x5], $0x40, s25, s25, $0xb8;
	[tilespmem:$0x1E680] =	vst v63  }
0x7d: {  	_ =	swait.ge [sflag:s19], $0x4000  }
0x7e: {  	[sflag:s19] =	ssyncset.done $0x0  }
0x7f: {  	[sflag:s19] =	ssyncadd.s32 $0xFFFFC000  }
0x80: {  	_ =	swait.ge [sflag:s31], $0x4000  }
0x81: {  	[sflag:s31] =	ssyncset.done $0x0  }
0x82: {  	[sflag:s31] =	ssyncadd.s32 $0xFFFFC000  }
0x83: {  	[spmem:s3] =	stream.indirect.scatter.add.f32 [tilespmem:s30], [sflag:$0x5], $0x40, s1, s25, $0xb8;
	[tilespmem:$0x1E680] =	vst v63  }
0x84: {  	_ =	swait.ge [sflag:s19], $0x4000  }
0x85: {  	s0 =	sadd.s32 $0x1, s0;
	[sflag:s19] =	ssyncset.done $0x0  }
0x86: {  	p0 =	sne.s32 s0, s16;
	[sflag:s19] =	ssyncadd.s32 $0xFFFFC000  }
.Ltmp1:
0x87: {  	s20 =	sshrl.u32 s10, $0x3;
	[bflag:$0x0] =	sbarrier.arrive $0xFFFF;
	(pc) =	sbr.rel @p0 .LBB2_1-.Ltmp1, $4  }
0x88: {  	[hbm:s15], [sflag:s22] =	dma.local [spmem:s20], $0x1400  }
0x89: {  	_ =	swait.ge [sflag:s19], $0x1400  }
0x8a: {  	[sflag:s19] =	ssyncset.done $0x0  }
0x8b: {  	[sflag:s19] =	ssyncadd.s32 $0xFFFFEC00  }
0x8c: {  	_ =	sfence.sel $0x180000  }
0x8d: {  	[bflag:$0x0] =	sbarrier.arrive $0xFFFF  }
0x8e: {  	_ =	strace $0x9000004A  }
0x8f: {  	s0 =	stileid.u32;
	[bflag:$0x2] =	sbarrier.arrive $0xFFFF  }
0x90: {  	p0 =	sne.s32 s0, $0x0;
	s0 =	rddreg [dreg:$0x4]  }
0x91: {  	s0 =	sadd.s32 @!p0 $0x100000, s0  }
0x92: {  	[sflag:s0] =	ssyncadd.tile.s32 @!p0 $0x1;
	_ =	shalt  }
.Lfunc_end2:
_tile_overlayer_lowered:
.L_overlay_start_2:
0x93: {  	(tag) =	ssettag $0x2  }
0x94: {  	s0 =	rddreg [dreg:$0x0];
	s2 =	stileid.u32  }
0x95: {  	s1 =	rddreg [dreg:$0x1];
	p0 =	sne.s32 s2, $0x0  }
0x96: {  	s3 =	rddreg [dreg:$0x2];
	[bflag:$0x3] =	sbarrier.arrive $0xFFFF;
	s2 =	simm.s32 @!p0 $0x1C05  }
0x97: {  	[timem:s3], [sflag:s2] =	dma.local @!p0 [hbm:s0], s1  }
0x98: {  	s0 =	simm.s32 @!p0 $0x5  }
0x99: {  	_ =	swait.ge @!p0 [sflag:s0], s1  }
0x9a: {  	s1 =	ssub.s32 @!p0 $0x0, s1;
	[sflag:s0] =	ssyncset.done @!p0 $0x0  }
0x9b: {  	[sflag:s0] =	ssyncadd.s32 @!p0 s1  }
0x9c: {  	[bflag:$0x3] =	sbarrier.arrive $0xFFFF  }
0x9d: {  	_ =	shalt  }

</sc_bundles>
